<compile_context>
chip_gen: v7x
topology: tpu7x:2x2x1
jax: 0.10.2.dev20260603
libtpu: 0.0.44.dev20260713+nightly
codegen_flags: <defaults>
</compile_context>

<pallas_src>
import functools

import jax
import jax.numpy as jnp
from jax import lax
from jax.experimental import pallas as pl
from jax.experimental.pallas import tpu as pltpu
from jax.experimental.pallas import tpu_sc as plsc

N = 10000
E = 320000
D = 128
NC = 2
NS = 16
B = 128

NPAD = 10240
EPAD = 327680
EW = EPAD // (NC * NS)
NCH = EW // B
RING = 2
NCH_DEG = EPAD // NS // B
ROWS_PER_TILE = NPAD // NS

_SC_KERNELS = None


def _get_sc_kernels():
    global _SC_KERNELS
    if _SC_KERNELS is None:
        mesh = plsc.VectorSubcoreMesh(
            core_axis_name="c",
            subcore_axis_name="s",
            num_cores=NC,
            num_subcores=NS,
        )
        _SC_KERNELS = (_make_degree_kernel(mesh), _make_message_kernel(mesh))
    return _SC_KERNELS


def _make_degree_kernel(mesh):
    return functools.partial(
        pl.kernel,
        out_type=jax.ShapeDtypeStruct((NC, NPAD), jnp.float32),
        mesh=mesh,
        scratch_types=[
            [pltpu.VMEM((B,), jnp.int32)] * 2,
            pltpu.VMEM((B,), jnp.float32),
            pltpu.VMEM((ROWS_PER_TILE,), jnp.float32),
            pltpu.VMEM_SHARED((NPAD,), jnp.float32),
            [pltpu.SemaphoreType.DMA] * 2,
            [pltpu.SemaphoreType.DMA] * 2,
        ],
    )(_degree_body)


def _degree_body(edges_hbm, deg_hbm, idx, ones_v, zrow_v, deg_acc, lsems, ssems):
    c = lax.axis_index("c")
    s = lax.axis_index("s")
    one = jnp.ones((16,), jnp.float32)
    zero = jnp.zeros((16,), jnp.float32)
    for k in range(B // 16):
        ones_v[pl.ds(k * 16, 16)] = one
    for k in range(ROWS_PER_TILE // 16):
        zrow_v[pl.ds(k * 16, 16)] = zero
    pltpu.sync_copy(zrow_v, deg_acc.at[pl.ds(s * ROWS_PER_TILE, ROWS_PER_TILE)])
    plsc.subcore_barrier()

    base = (s * NC + c) * NCH * B
    for b in range(2):
        pltpu.async_copy(
            edges_hbm.at[0, pl.ds(base + b * B, B)], idx[b], lsems[b]
        )

    def pair(jj, _):
        j0 = 2 * jj
        for b in range(2):
            j = j0 + b
            pltpu.make_async_copy(
                edges_hbm.at[0, pl.ds(base, B)], idx[b], lsems[b]
            ).wait()
            pltpu.async_copy(ones_v, deg_acc.at[idx[b]], ssems[b], add=True)

            @pl.when(j + 2 < NCH)
            def _next():
                pltpu.make_async_copy(
                    ones_v, deg_acc.at[idx[b]], ssems[b]
                ).wait()
                pltpu.async_copy(
                    edges_hbm.at[0, pl.ds(base + (j + 2) * B, B)],
                    idx[b],
                    lsems[b],
                )

        return _

    lax.fori_loop(0, NCH // 2, pair, None)
    for b in range(2):
        pltpu.make_async_copy(ones_v, deg_acc.at[idx[b]], ssems[b]).wait()
    plsc.subcore_barrier()
    pltpu.sync_copy(
        deg_acc.at[pl.ds(s * ROWS_PER_TILE, ROWS_PER_TILE)],
        deg_hbm.at[c, pl.ds(s * ROWS_PER_TILE, ROWS_PER_TILE)],
    )


def _matmul_body(deg_ref, x_ref, w_ref, o_ref):
    norm = lax.rsqrt(jnp.maximum(deg_ref[0] + deg_ref[1], 1.0))
    o_ref[...] = jnp.dot(
        x_ref[...] * norm, w_ref[...], preferred_element_type=jnp.float32
    )


def _scaled_matmul(deg_col, x, w):
    return pl.pallas_call(
        _matmul_body,
        grid=(N // 2000,),
        in_specs=[
            pl.BlockSpec((NC, 2000, 1), lambda i: (0, i, 0)),
            pl.BlockSpec((2000, D), lambda i: (i, 0)),
            pl.BlockSpec((D, D), lambda i: (0, 0)),
        ],
        out_specs=pl.BlockSpec((2000, D), lambda i: (i, 0)),
        out_shape=jax.ShapeDtypeStruct((NPAD, D), jnp.float32),
    )(deg_col, x, w)


def _make_message_kernel(mesh):
    return functools.partial(
        pl.kernel,
        out_type=(
            jax.ShapeDtypeStruct((NC, NPAD, D), jnp.float32),
            jax.ShapeDtypeStruct((NC, NPAD), jnp.float32),
        ),
        mesh=mesh,
        scratch_types=[
            pltpu.VMEM((EW,), jnp.int32),
            [pltpu.VMEM((B,), jnp.int32)] * RING,
            [pltpu.VMEM((B, D), jnp.float32)] * RING,
            pltpu.VMEM((16, D), jnp.float32),
            pltpu.VMEM((B,), jnp.float32),
            pltpu.VMEM((ROWS_PER_TILE,), jnp.float32),
            pltpu.VMEM_SHARED((NPAD, D), jnp.float32),
            pltpu.VMEM_SHARED((NPAD,), jnp.float32),
            [pltpu.SemaphoreType.DMA] * RING,
            [pltpu.SemaphoreType.DMA] * RING,
            [pltpu.SemaphoreType.DMA] * RING,
            [pltpu.SemaphoreType.DMA] * RING,
        ],
    )(_message_body)


def _message_body(
    h_hbm, edges_hbm, out_hbm, deg_hbm,
    sidx, didx, rows, zbuf, ones_v, zrow_v, acc, deg_acc,
    gsems, ssems, lsems, dsems,
):
    c = lax.axis_index("c")
    s = lax.axis_index("s")
    wid = s * NC + c
    base = wid * EW

    one = jnp.ones((16,), jnp.float32)
    zero = jnp.zeros((16,), jnp.float32)
    for k in range(B // 16):
        ones_v[pl.ds(k * 16, 16)] = one
    for k in range(ROWS_PER_TILE // 16):
        zrow_v[pl.ds(k * 16, 16)] = zero

    def zrow_body(r, _):
        for k in range(D // 16):
            zbuf[r, pl.ds(k * 16, 16)] = zero
        return _

    lax.fori_loop(0, 16, zrow_body, None)

    def zcopy(k, _):
        pltpu.sync_copy(zbuf, acc.at[pl.ds(s * ROWS_PER_TILE + k * 16, 16)])
        return _

    lax.fori_loop(0, ROWS_PER_TILE // 16, zcopy, None)
    pltpu.sync_copy(zrow_v, deg_acc.at[pl.ds(s * ROWS_PER_TILE, ROWS_PER_TILE)])
    plsc.subcore_barrier()

    pltpu.sync_copy(edges_hbm.at[0, pl.ds(base, EW)], sidx)

    for b in range(RING):
        pltpu.async_copy(
            edges_hbm.at[1, pl.ds(base + b * B, B)], didx[b], lsems[b]
        )
        pltpu.async_copy(
            h_hbm.at[sidx.at[pl.ds(b * B, B)]], rows[b], gsems[b]
        )

    def super_iter(jj, _):
        j0 = jj * RING
        for b in range(RING):
            j = j0 + b
            pltpu.make_async_copy(
                h_hbm.at[sidx.at[pl.ds(0, B)]], rows[b], gsems[b]
            ).wait()
            pltpu.make_async_copy(
                edges_hbm.at[1, pl.ds(base, B)], didx[b], lsems[b]
            ).wait()
            pltpu.async_copy(rows[b], acc.at[didx[b]], ssems[b], add=True)
            pltpu.async_copy(ones_v, deg_acc.at[didx[b]], dsems[b], add=True)

            @pl.when(j + RING < NCH)
            def _next():
                pltpu.make_async_copy(
                    rows[b], acc.at[didx[b]], ssems[b]
                ).wait()
                pltpu.make_async_copy(
                    ones_v, deg_acc.at[didx[b]], dsems[b]
                ).wait()
                pltpu.async_copy(
                    edges_hbm.at[1, pl.ds(base + (j + RING) * B, B)],
                    didx[b],
                    lsems[b],
                )
                pltpu.async_copy(
                    h_hbm.at[sidx.at[pl.ds((j + RING) * B, B)]],
                    rows[b],
                    gsems[b],
                )

        return _

    lax.fori_loop(0, NCH // RING, super_iter, None)
    for b in range(RING):
        pltpu.make_async_copy(rows[b], acc.at[didx[b]], ssems[b]).wait()
        pltpu.make_async_copy(ones_v, deg_acc.at[didx[b]], dsems[b]).wait()
    plsc.subcore_barrier()
    pltpu.sync_copy(
        acc.at[pl.ds(s * ROWS_PER_TILE, ROWS_PER_TILE)],
        out_hbm.at[c, pl.ds(s * ROWS_PER_TILE, ROWS_PER_TILE)],
    )
    pltpu.sync_copy(
        deg_acc.at[pl.ds(s * ROWS_PER_TILE, ROWS_PER_TILE)],
        deg_hbm.at[c, pl.ds(s * ROWS_PER_TILE, ROWS_PER_TILE)],
    )


def _finalize_body(deg_ref, parts_ref, b_ref, o_ref):
    norm = lax.rsqrt(jnp.maximum(deg_ref[0] + deg_ref[1], 1.0))
    o_ref[...] = (parts_ref[0] + parts_ref[1]) * norm + b_ref[...]


def _finalize(deg_col, parts, bias_row):
    return pl.pallas_call(
        _finalize_body,
        grid=(N // 2000,),
        in_specs=[
            pl.BlockSpec((NC, 2000, 1), lambda i: (0, i, 0)),
            pl.BlockSpec((NC, 2000, D), lambda i: (0, i, 0)),
            pl.BlockSpec((1, D), lambda i: (0, 0)),
        ],
        out_specs=pl.BlockSpec((2000, D), lambda i: (i, 0)),
        out_shape=jax.ShapeDtypeStruct((N, D), jnp.float32),
    )(deg_col, parts, bias_row)


def kernel(x, edge_index, W, b):
    pad = N + (jnp.arange(EPAD - E, dtype=jnp.int32) % (NPAD - N))
    edges2 = jnp.concatenate(
        [edge_index.astype(jnp.int32), jnp.broadcast_to(pad, (2, EPAD - E))],
        axis=1,
    )

    degree_kernel, message_kernel = _get_sc_kernels()
    deg_out_parts = degree_kernel(edges2)
    h = _scaled_matmul(deg_out_parts.reshape(NC, NPAD, 1), x, W)
    parts, deg_in_parts = message_kernel(h, edges2)
    return _finalize(
        deg_in_parts.reshape(NC, NPAD, 1), parts, b.reshape(1, D)
    )

# --- scband reference (transcript-rebuilt; emitter-appended) ---
"""Pipeline reference for scband-batch-model-69887707840822 (READ-ONLY COPY).

The authoritative reference and input builder live on the scoring server;
editing this copy changes nothing except your own understanding.
"""

import jax, jax.numpy as jnp
import numpy as np

N_NODES = 10000
N_EDGES = 320000
D_IN = 128
D_OUT = 128


def setup_inputs(seed: int = 0) -> dict:
    key = jax.random.key(seed)
    k1, k2, k3, k4 = jax.random.split(key, 4)
    x = jax.random.normal(k1, (N_NODES, D_IN), dtype=jnp.float32)
    edge_index = jax.random.randint(k2, (2, N_EDGES), 0, N_NODES, dtype=jnp.int64)
    # Glorot-style init for the GraphConv weight, zeros for bias (matches dgl GraphConv reset_parameters)
    limit = float(np.sqrt(6.0 / (D_IN + D_OUT)))
    W = jax.random.uniform(k3, (D_IN, D_OUT), dtype=jnp.float32, minval=-limit, maxval=limit)
    b = jnp.zeros((D_OUT,), dtype=jnp.float32)
    return {"x": x, "edge_index": edge_index, "W": W, "b": b}


def reference(x, edge_index, W, b):
    # SimpleGraphConv.forward with norm='both', internal weight, bias, sum aggregation.
    src = edge_index[0]
    dst = edge_index[1]
    n = x.shape[0]
    ones = jnp.ones((src.shape[0],), dtype=jnp.float32)
    # out-degree normalization of source features: deg_out^{-1/2}, clamp(min=1)
    deg_out = jnp.zeros((n,), dtype=jnp.float32).at[src].add(ones)
    norm_src = jnp.power(jnp.clip(deg_out, 1.0, None), -0.5)
    feat_src = x * norm_src[:, None]
    # in_feats >= out_feats path: project before message passing (mult W first to reduce msg size)
    feat_src = jnp.matmul(feat_src, W)
    # message = copy_src('h','m'); reduce = sum over incoming edges (scatter-add by dst)
    msgs = jnp.take(feat_src, src, axis=0)
    rst = jax.ops.segment_sum(msgs, dst, num_segments=n)
    # norm='both': also apply in-degree normalization deg_in^{-1/2}, clamp(min=1)
    deg_in = jnp.zeros((n,), dtype=jnp.float32).at[dst].add(ones)
    norm_dst = jnp.power(jnp.clip(deg_in, 1.0, None), -0.5)
    rst = rst * norm_dst[:, None]
    rst = rst + b
    return rst

if __name__ == "__main__":
    import jax
    _d = setup_inputs()
    print(jax.jit(kernel)(*tuple(_d.values())))

</pallas_src>

<mosaic_0001>
#map = affine_map<(d0, d1) -> (0, 0)>
module attributes {stable_mosaic.version = 14 : i64} {
  func.func @_degree_body(%arg0: i32, %arg1: i32, %arg2: memref<2x327680xi32, #tpu.memory_space<hbm>>, %arg3: memref<2x10240xf32, #tpu.memory_space<hbm>>, %arg4: memref<128xi32, #tpu.memory_space<vmem>>, %arg5: memref<128xi32, #tpu.memory_space<vmem>>, %arg6: memref<128xf32, #tpu.memory_space<vmem>>, %arg7: memref<640xf32, #tpu.memory_space<vmem>>, %arg8: memref<10240xf32, #tpu.memory_space<vmem_shared>>, %arg9: memref<!tpu.dma_semaphore, #tpu.memory_space<semaphore_mem>>, %arg10: memref<!tpu.dma_semaphore, #tpu.memory_space<semaphore_mem>>, %arg11: memref<!tpu.dma_semaphore, #tpu.memory_space<semaphore_mem>>, %arg12: memref<!tpu.dma_semaphore, #tpu.memory_space<semaphore_mem>>) attributes {dimension_semantics = [#tpu.dimension_semantics<core_parallel>, #tpu.dimension_semantics<subcore_parallel>], iteration_bounds = array<i64: 2, 16>, scalar_prefetch = 0 : i64, scratch_operands = 9 : i64, tpu.core_type = #tpu.core_type<sc_vector_subcore>, window_params = [{transform_indices = #map}, {transform_indices = #map}]} {
    %broadcast_in_dim3A = arith.constant 1.000000e+00 : f32
    %broadcast_in_dim3A_0 = vector.broadcast %broadcast_in_dim3A : f32 to vector<16xf32>
    %broadcast_in_dim3A_1 = arith.constant 0.000000e+00 : f32
    %broadcast_in_dim3A_2 = vector.broadcast %broadcast_in_dim3A_1 : f32 to vector<16xf32>
    %swap3A = arith.constant 0 : index
    %swap3A_3 = tpu.vector_load %arg6[%swap3A] {strides = array<i32>} : memref<128xf32, #tpu.memory_space<vmem>>, vector<16xf32>,
    %swap3A_4 = vector.shape_cast %swap3A_3 : vector<16xf32> to vector<16xf32>
    %swap3A_5 = vector.shape_cast %broadcast_in_dim3A_0 : vector<16xf32> to vector<16xf32>
    tpu.vector_store %arg6[%swap3A], %swap3A_5 {strides = array<i32>} : memref<128xf32, #tpu.memory_space<vmem>>, vector<16xf32>,
    %swap3A_6 = arith.constant 16 : index
    %swap3A_7 = tpu.vector_load %arg6[%swap3A_6] {strides = array<i32>} : memref<128xf32, #tpu.memory_space<vmem>>, vector<16xf32>,
    %swap3A_8 = vector.shape_cast %swap3A_7 : vector<16xf32> to vector<16xf32>
    %swap3A_9 = vector.shape_cast %broadcast_in_dim3A_0 : vector<16xf32> to vector<16xf32>
    tpu.vector_store %arg6[%swap3A_6], %swap3A_9 {strides = array<i32>} : memref<128xf32, #tpu.memory_space<vmem>>, vector<16xf32>,
    %swap3A_10 = arith.constant 32 : index
    %swap3A_11 = tpu.vector_load %arg6[%swap3A_10] {strides = array<i32>} : memref<128xf32, #tpu.memory_space<vmem>>, vector<16xf32>,
    %swap3A_12 = vector.shape_cast %swap3A_11 : vector<16xf32> to vector<16xf32>
    %swap3A_13 = vector.shape_cast %broadcast_in_dim3A_0 : vector<16xf32> to vector<16xf32>
    tpu.vector_store %arg6[%swap3A_10], %swap3A_13 {strides = array<i32>} : memref<128xf32, #tpu.memory_space<vmem>>, vector<16xf32>,
    %swap3A_14 = arith.constant 48 : index
    %swap3A_15 = tpu.vector_load %arg6[%swap3A_14] {strides = array<i32>} : memref<128xf32, #tpu.memory_space<vmem>>, vector<16xf32>,
    %swap3A_16 = vector.shape_cast %swap3A_15 : vector<16xf32> to vector<16xf32>
    %swap3A_17 = vector.shape_cast %broadcast_in_dim3A_0 : vector<16xf32> to vector<16xf32>
    tpu.vector_store %arg6[%swap3A_14], %swap3A_17 {strides = array<i32>} : memref<128xf32, #tpu.memory_space<vmem>>, vector<16xf32>,
    %swap3A_18 = arith.constant 64 : index
    %swap3A_19 = tpu.vector_load %arg6[%swap3A_18] {strides = array<i32>} : memref<128xf32, #tpu.memory_space<vmem>>, vector<16xf32>,
    %swap3A_20 = vector.shape_cast %swap3A_19 : vector<16xf32> to vector<16xf32>
    %swap3A_21 = vector.shape_cast %broadcast_in_dim3A_0 : vector<16xf32> to vector<16xf32>
    tpu.vector_store %arg6[%swap3A_18], %swap3A_21 {strides = array<i32>} : memref<128xf32, #tpu.memory_space<vmem>>, vector<16xf32>,
    %swap3A_22 = arith.constant 80 : index
    %swap3A_23 = tpu.vector_load %arg6[%swap3A_22] {strides = array<i32>} : memref<128xf32, #tpu.memory_space<vmem>>, vector<16xf32>,
    %swap3A_24 = vector.shape_cast %swap3A_23 : vector<16xf32> to vector<16xf32>
    %swap3A_25 = vector.shape_cast %broadcast_in_dim3A_0 : vector<16xf32> to vector<16xf32>
    tpu.vector_store %arg6[%swap3A_22], %swap3A_25 {strides = array<i32>} : memref<128xf32, #tpu.memory_space<vmem>>, vector<16xf32>,
    %swap3A_26 = arith.constant 96 : index
    %swap3A_27 = tpu.vector_load %arg6[%swap3A_26] {strides = array<i32>} : memref<128xf32, #tpu.memory_space<vmem>>, vector<16xf32>,
    %swap3A_28 = vector.shape_cast %swap3A_27 : vector<16xf32> to vector<16xf32>
    %swap3A_29 = vector.shape_cast %broadcast_in_dim3A_0 : vector<16xf32> to vector<16xf32>
    tpu.vector_store %arg6[%swap3A_26], %swap3A_29 {strides = array<i32>} : memref<128xf32, #tpu.memory_space<vmem>>, vector<16xf32>,
    %swap3A_30 = arith.constant 112 : index
    %swap3A_31 = tpu.vector_load %arg6[%swap3A_30] {strides = array<i32>} : memref<128xf32, #tpu.memory_space<vmem>>, vector<16xf32>,
    %swap3A_32 = vector.shape_cast %swap3A_31 : vector<16xf32> to vector<16xf32>
    %swap3A_33 = vector.shape_cast %broadcast_in_dim3A_0 : vector<16xf32> to vector<16xf32>
    tpu.vector_store %arg6[%swap3A_30], %swap3A_33 {strides = array<i32>} : memref<128xf32, #tpu.memory_space<vmem>>, vector<16xf32>,
    %swap3A_34 = arith.constant 0 : index
    %swap3A_35 = tpu.vector_load %arg7[%swap3A_34] {strides = array<i32>} : memref<640xf32, #tpu.memory_space<vmem>>, vector<16xf32>,
    %swap3A_36 = vector.shape_cast %swap3A_35 : vector<16xf32> to vector<16xf32>
    %swap3A_37 = vector.shape_cast %broadcast_in_dim3A_2 : vector<16xf32> to vector<16xf32>
    tpu.vector_store %arg7[%swap3A_34], %swap3A_37 {strides = array<i32>} : memref<640xf32, #tpu.memory_space<vmem>>, vector<16xf32>,
    %swap3A_38 = arith.constant 16 : index
    %swap3A_39 = tpu.vector_load %arg7[%swap3A_38] {strides = array<i32>} : memref<640xf32, #tpu.memory_space<vmem>>, vector<16xf32>,
    %swap3A_40 = vector.shape_cast %swap3A_39 : vector<16xf32> to vector<16xf32>
    %swap3A_41 = vector.shape_cast %broadcast_in_dim3A_2 : vector<16xf32> to vector<16xf32>
    tpu.vector_store %arg7[%swap3A_38], %swap3A_41 {strides = array<i32>} : memref<640xf32, #tpu.memory_space<vmem>>, vector<16xf32>,
    %swap3A_42 = arith.constant 32 : index
    %swap3A_43 = tpu.vector_load %arg7[%swap3A_42] {strides = array<i32>} : memref<640xf32, #tpu.memory_space<vmem>>, vector<16xf32>,
    %swap3A_44 = vector.shape_cast %swap3A_43 : vector<16xf32> to vector<16xf32>
    %swap3A_45 = vector.shape_cast %broadcast_in_dim3A_2 : vector<16xf32> to vector<16xf32>
    tpu.vector_store %arg7[%swap3A_42], %swap3A_45 {strides = array<i32>} : memref<640xf32, #tpu.memory_space<vmem>>, vector<16xf32>,
    %swap3A_46 = arith.constant 48 : index
    %swap3A_47 = tpu.vector_load %arg7[%swap3A_46] {strides = array<i32>} : memref<640xf32, #tpu.memory_space<vmem>>, vector<16xf32>,
    %swap3A_48 = vector.shape_cast %swap3A_47 : vector<16xf32> to vector<16xf32>
    %swap3A_49 = vector.shape_cast %broadcast_in_dim3A_2 : vector<16xf32> to vector<16xf32>
    tpu.vector_store %arg7[%swap3A_46], %swap3A_49 {strides = array<i32>} : memref<640xf32, #tpu.memory_space<vmem>>, vector<16xf32>,
    %swap3A_50 = arith.constant 64 : index
    %swap3A_51 = tpu.vector_load %arg7[%swap3A_50] {strides = array<i32>} : memref<640xf32, #tpu.memory_space<vmem>>, vector<16xf32>,
    %swap3A_52 = vector.shape_cast %swap3A_51 : vector<16xf32> to vector<16xf32>
    %swap3A_53 = vector.shape_cast %broadcast_in_dim3A_2 : vector<16xf32> to vector<16xf32>
    tpu.vector_store %arg7[%swap3A_50], %swap3A_53 {strides = array<i32>} : memref<640xf32, #tpu.memory_space<vmem>>, vector<16xf32>,
    %swap3A_54 = arith.constant 80 : index
    %swap3A_55 = tpu.vector_load %arg7[%swap3A_54] {strides = array<i32>} : memref<640xf32, #tpu.memory_space<vmem>>, vector<16xf32>,
    %swap3A_56 = vector.shape_cast %swap3A_55 : vector<16xf32> to vector<16xf32>
    %swap3A_57 = vector.shape_cast %broadcast_in_dim3A_2 : vector<16xf32> to vector<16xf32>
    tpu.vector_store %arg7[%swap3A_54], %swap3A_57 {strides = array<i32>} : memref<640xf32, #tpu.memory_space<vmem>>, vector<16xf32>,
    %swap3A_58 = arith.constant 96 : index
    %swap3A_59 = tpu.vector_load %arg7[%swap3A_58] {strides = array<i32>} : memref<640xf32, #tpu.memory_space<vmem>>, vector<16xf32>,
    %swap3A_60 = vector.shape_cast %swap3A_59 : vector<16xf32> to vector<16xf32>
    %swap3A_61 = vector.shape_cast %broadcast_in_dim3A_2 : vector<16xf32> to vector<16xf32>
    tpu.vector_store %arg7[%swap3A_58], %swap3A_61 {strides = array<i32>} : memref<640xf32, #tpu.memory_space<vmem>>, vector<16xf32>,
    %swap3A_62 = arith.constant 112 : index
    %swap3A_63 = tpu.vector_load %arg7[%swap3A_62] {strides = array<i32>} : memref<640xf32, #tpu.memory_space<vmem>>, vector<16xf32>,
    %swap3A_64 = vector.shape_cast %swap3A_63 : vector<16xf32> to vector<16xf32>
    %swap3A_65 = vector.shape_cast %broadcast_in_dim3A_2 : vector<16xf32> to vector<16xf32>
    tpu.vector_store %arg7[%swap3A_62], %swap3A_65 {strides = array<i32>} : memref<640xf32, #tpu.memory_space<vmem>>, vector<16xf32>,
    %swap3A_66 = arith.constant 128 : index
    %swap3A_67 = tpu.vector_load %arg7[%swap3A_66] {strides = array<i32>} : memref<640xf32, #tpu.memory_space<vmem>>, vector<16xf32>,
    %swap3A_68 = vector.shape_cast %swap3A_67 : vector<16xf32> to vector<16xf32>
    %swap3A_69 = vector.shape_cast %broadcast_in_dim3A_2 : vector<16xf32> to vector<16xf32>
    tpu.vector_store %arg7[%swap3A_66], %swap3A_69 {strides = array<i32>} : memref<640xf32, #tpu.memory_space<vmem>>, vector<16xf32>,
    %swap3A_70 = arith.constant 144 : index
    %swap3A_71 = tpu.vector_load %arg7[%swap3A_70] {strides = array<i32>} : memref<640xf32, #tpu.memory_space<vmem>>, vector<16xf32>,
    %swap3A_72 = vector.shape_cast %swap3A_71 : vector<16xf32> to vector<16xf32>
    %swap3A_73 = vector.shape_cast %broadcast_in_dim3A_2 : vector<16xf32> to vector<16xf32>
    tpu.vector_store %arg7[%swap3A_70], %swap3A_73 {strides = array<i32>} : memref<640xf32, #tpu.memory_space<vmem>>, vector<16xf32>,
    %swap3A_74 = arith.constant 160 : index
    %swap3A_75 = tpu.vector_load %arg7[%swap3A_74] {strides = array<i32>} : memref<640xf32, #tpu.memory_space<vmem>>, vector<16xf32>,
    %swap3A_76 = vector.shape_cast %swap3A_75 : vector<16xf32> to vector<16xf32>
    %swap3A_77 = vector.shape_cast %broadcast_in_dim3A_2 : vector<16xf32> to vector<16xf32>
    tpu.vector_store %arg7[%swap3A_74], %swap3A_77 {strides = array<i32>} : memref<640xf32, #tpu.memory_space<vmem>>, vector<16xf32>,
    %swap3A_78 = arith.constant 176 : index
    %swap3A_79 = tpu.vector_load %arg7[%swap3A_78] {strides = array<i32>} : memref<640xf32, #tpu.memory_space<vmem>>, vector<16xf32>,
    %swap3A_80 = vector.shape_cast %swap3A_79 : vector<16xf32> to vector<16xf32>
    %swap3A_81 = vector.shape_cast %broadcast_in_dim3A_2 : vector<16xf32> to vector<16xf32>
    tpu.vector_store %arg7[%swap3A_78], %swap3A_81 {strides = array<i32>} : memref<640xf32, #tpu.memory_space<vmem>>, vector<16xf32>,
    %swap3A_82 = arith.constant 192 : index
    %swap3A_83 = tpu.vector_load %arg7[%swap3A_82] {strides = array<i32>} : memref<640xf32, #tpu.memory_space<vmem>>, vector<16xf32>,
    %swap3A_84 = vector.shape_cast %swap3A_83 : vector<16xf32> to vector<16xf32>
    %swap3A_85 = vector.shape_cast %broadcast_in_dim3A_2 : vector<16xf32> to vector<16xf32>
    tpu.vector_store %arg7[%swap3A_82], %swap3A_85 {strides = array<i32>} : memref<640xf32, #tpu.memory_space<vmem>>, vector<16xf32>,
    %swap3A_86 = arith.constant 208 : index
    %swap3A_87 = tpu.vector_load %arg7[%swap3A_86] {strides = array<i32>} : memref<640xf32, #tpu.memory_space<vmem>>, vector<16xf32>,
    %swap3A_88 = vector.shape_cast %swap3A_87 : vector<16xf32> to vector<16xf32>
    %swap3A_89 = vector.shape_cast %broadcast_in_dim3A_2 : vector<16xf32> to vector<16xf32>
    tpu.vector_store %arg7[%swap3A_86], %swap3A_89 {strides = array<i32>} : memref<640xf32, #tpu.memory_space<vmem>>, vector<16xf32>,
    %swap3A_90 = arith.constant 224 : index
    %swap3A_91 = tpu.vector_load %arg7[%swap3A_90] {strides = array<i32>} : memref<640xf32, #tpu.memory_space<vmem>>, vector<16xf32>,
    %swap3A_92 = vector.shape_cast %swap3A_91 : vector<16xf32> to vector<16xf32>
    %swap3A_93 = vector.shape_cast %broadcast_in_dim3A_2 : vector<16xf32> to vector<16xf32>
    tpu.vector_store %arg7[%swap3A_90], %swap3A_93 {strides = array<i32>} : memref<640xf32, #tpu.memory_space<vmem>>, vector<16xf32>,
    %swap3A_94 = arith.constant 240 : index
    %swap3A_95 = tpu.vector_load %arg7[%swap3A_94] {strides = array<i32>} : memref<640xf32, #tpu.memory_space<vmem>>, vector<16xf32>,
    %swap3A_96 = vector.shape_cast %swap3A_95 : vector<16xf32> to vector<16xf32>
    %swap3A_97 = vector.shape_cast %broadcast_in_dim3A_2 : vector<16xf32> to vector<16xf32>
    tpu.vector_store %arg7[%swap3A_94], %swap3A_97 {strides = array<i32>} : memref<640xf32, #tpu.memory_space<vmem>>, vector<16xf32>,
    %swap3A_98 = arith.constant 256 : index
    %swap3A_99 = tpu.vector_load %arg7[%swap3A_98] {strides = array<i32>} : memref<640xf32, #tpu.memory_space<vmem>>, vector<16xf32>,
    %swap3A_100 = vector.shape_cast %swap3A_99 : vector<16xf32> to vector<16xf32>
    %swap3A_101 = vector.shape_cast %broadcast_in_dim3A_2 : vector<16xf32> to vector<16xf32>
    tpu.vector_store %arg7[%swap3A_98], %swap3A_101 {strides = array<i32>} : memref<640xf32, #tpu.memory_space<vmem>>, vector<16xf32>,
    %swap3A_102 = arith.constant 272 : index
    %swap3A_103 = tpu.vector_load %arg7[%swap3A_102] {strides = array<i32>} : memref<640xf32, #tpu.memory_space<vmem>>, vector<16xf32>,
    %swap3A_104 = vector.shape_cast %swap3A_103 : vector<16xf32> to vector<16xf32>
    %swap3A_105 = vector.shape_cast %broadcast_in_dim3A_2 : vector<16xf32> to vector<16xf32>
    tpu.vector_store %arg7[%swap3A_102], %swap3A_105 {strides = array<i32>} : memref<640xf32, #tpu.memory_space<vmem>>, vector<16xf32>,
    %swap3A_106 = arith.constant 288 : index
    %swap3A_107 = tpu.vector_load %arg7[%swap3A_106] {strides = array<i32>} : memref<640xf32, #tpu.memory_space<vmem>>, vector<16xf32>,
    %swap3A_108 = vector.shape_cast %swap3A_107 : vector<16xf32> to vector<16xf32>
    %swap3A_109 = vector.shape_cast %broadcast_in_dim3A_2 : vector<16xf32> to vector<16xf32>
    tpu.vector_store %arg7[%swap3A_106], %swap3A_109 {strides = array<i32>} : memref<640xf32, #tpu.memory_space<vmem>>, vector<16xf32>,
    %swap3A_110 = arith.constant 304 : index
    %swap3A_111 = tpu.vector_load %arg7[%swap3A_110] {strides = array<i32>} : memref<640xf32, #tpu.memory_space<vmem>>, vector<16xf32>,
    %swap3A_112 = vector.shape_cast %swap3A_111 : vector<16xf32> to vector<16xf32>
    %swap3A_113 = vector.shape_cast %broadcast_in_dim3A_2 : vector<16xf32> to vector<16xf32>
    tpu.vector_store %arg7[%swap3A_110], %swap3A_113 {strides = array<i32>} : memref<640xf32, #tpu.memory_space<vmem>>, vector<16xf32>,
    %swap3A_114 = arith.constant 320 : index
    %swap3A_115 = tpu.vector_load %arg7[%swap3A_114] {strides = array<i32>} : memref<640xf32, #tpu.memory_space<vmem>>, vector<16xf32>,
    %swap3A_116 = vector.shape_cast %swap3A_115 : vector<16xf32> to vector<16xf32>
    %swap3A_117 = vector.shape_cast %broadcast_in_dim3A_2 : vector<16xf32> to vector<16xf32>
    tpu.vector_store %arg7[%swap3A_114], %swap3A_117 {strides = array<i32>} : memref<640xf32, #tpu.memory_space<vmem>>, vector<16xf32>,
    %swap3A_118 = arith.constant 336 : index
    %swap3A_119 = tpu.vector_load %arg7[%swap3A_118] {strides = array<i32>} : memref<640xf32, #tpu.memory_space<vmem>>, vector<16xf32>,
    %swap3A_120 = vector.shape_cast %swap3A_119 : vector<16xf32> to vector<16xf32>
    %swap3A_121 = vector.shape_cast %broadcast_in_dim3A_2 : vector<16xf32> to vector<16xf32>
    tpu.vector_store %arg7[%swap3A_118], %swap3A_121 {strides = array<i32>} : memref<640xf32, #tpu.memory_space<vmem>>, vector<16xf32>,
    %swap3A_122 = arith.constant 352 : index
    %swap3A_123 = tpu.vector_load %arg7[%swap3A_122] {strides = array<i32>} : memref<640xf32, #tpu.memory_space<vmem>>, vector<16xf32>,
    %swap3A_124 = vector.shape_cast %swap3A_123 : vector<16xf32> to vector<16xf32>
    %swap3A_125 = vector.shape_cast %broadcast_in_dim3A_2 : vector<16xf32> to vector<16xf32>
    tpu.vector_store %arg7[%swap3A_122], %swap3A_125 {strides = array<i32>} : memref<640xf32, #tpu.memory_space<vmem>>, vector<16xf32>,
    %swap3A_126 = arith.constant 368 : index
    %swap3A_127 = tpu.vector_load %arg7[%swap3A_126] {strides = array<i32>} : memref<640xf32, #tpu.memory_space<vmem>>, vector<16xf32>,
    %swap3A_128 = vector.shape_cast %swap3A_127 : vector<16xf32> to vector<16xf32>
    %swap3A_129 = vector.shape_cast %broadcast_in_dim3A_2 : vector<16xf32> to vector<16xf32>
    tpu.vector_store %arg7[%swap3A_126], %swap3A_129 {strides = array<i32>} : memref<640xf32, #tpu.memory_space<vmem>>, vector<16xf32>,
    %swap3A_130 = arith.constant 384 : index
    %swap3A_131 = tpu.vector_load %arg7[%swap3A_130] {strides = array<i32>} : memref<640xf32, #tpu.memory_space<vmem>>, vector<16xf32>,
    %swap3A_132 = vector.shape_cast %swap3A_131 : vector<16xf32> to vector<16xf32>
    %swap3A_133 = vector.shape_cast %broadcast_in_dim3A_2 : vector<16xf32> to vector<16xf32>
    tpu.vector_store %arg7[%swap3A_130], %swap3A_133 {strides = array<i32>} : memref<640xf32, #tpu.memory_space<vmem>>, vector<16xf32>,
    %swap3A_134 = arith.constant 400 : index
    %swap3A_135 = tpu.vector_load %arg7[%swap3A_134] {strides = array<i32>} : memref<640xf32, #tpu.memory_space<vmem>>, vector<16xf32>,
    %swap3A_136 = vector.shape_cast %swap3A_135 : vector<16xf32> to vector<16xf32>
    %swap3A_137 = vector.shape_cast %broadcast_in_dim3A_2 : vector<16xf32> to vector<16xf32>
    tpu.vector_store %arg7[%swap3A_134], %swap3A_137 {strides = array<i32>} : memref<640xf32, #tpu.memory_space<vmem>>, vector<16xf32>,
    %swap3A_138 = arith.constant 416 : index
    %swap3A_139 = tpu.vector_load %arg7[%swap3A_138] {strides = array<i32>} : memref<640xf32, #tpu.memory_space<vmem>>, vector<16xf32>,
    %swap3A_140 = vector.shape_cast %swap3A_139 : vector<16xf32> to vector<16xf32>
    %swap3A_141 = vector.shape_cast %broadcast_in_dim3A_2 : vector<16xf32> to vector<16xf32>
    tpu.vector_store %arg7[%swap3A_138], %swap3A_141 {strides = array<i32>} : memref<640xf32, #tpu.memory_space<vmem>>, vector<16xf32>,
    %swap3A_142 = arith.constant 432 : index
    %swap3A_143 = tpu.vector_load %arg7[%swap3A_142] {strides = array<i32>} : memref<640xf32, #tpu.memory_space<vmem>>, vector<16xf32>,
    %swap3A_144 = vector.shape_cast %swap3A_143 : vector<16xf32> to vector<16xf32>
    %swap3A_145 = vector.shape_cast %broadcast_in_dim3A_2 : vector<16xf32> to vector<16xf32>
    tpu.vector_store %arg7[%swap3A_142], %swap3A_145 {strides = array<i32>} : memref<640xf32, #tpu.memory_space<vmem>>, vector<16xf32>,
    %swap3A_146 = arith.constant 448 : index
    %swap3A_147 = tpu.vector_load %arg7[%swap3A_146] {strides = array<i32>} : memref<640xf32, #tpu.memory_space<vmem>>, vector<16xf32>,
    %swap3A_148 = vector.shape_cast %swap3A_147 : vector<16xf32> to vector<16xf32>
    %swap3A_149 = vector.shape_cast %broadcast_in_dim3A_2 : vector<16xf32> to vector<16xf32>
    tpu.vector_store %arg7[%swap3A_146], %swap3A_149 {strides = array<i32>} : memref<640xf32, #tpu.memory_space<vmem>>, vector<16xf32>,
    %swap3A_150 = arith.constant 464 : index
    %swap3A_151 = tpu.vector_load %arg7[%swap3A_150] {strides = array<i32>} : memref<640xf32, #tpu.memory_space<vmem>>, vector<16xf32>,
    %swap3A_152 = vector.shape_cast %swap3A_151 : vector<16xf32> to vector<16xf32>
    %swap3A_153 = vector.shape_cast %broadcast_in_dim3A_2 : vector<16xf32> to vector<16xf32>
    tpu.vector_store %arg7[%swap3A_150], %swap3A_153 {strides = array<i32>} : memref<640xf32, #tpu.memory_space<vmem>>, vector<16xf32>,
    %swap3A_154 = arith.constant 480 : index
    %swap3A_155 = tpu.vector_load %arg7[%swap3A_154] {strides = array<i32>} : memref<640xf32, #tpu.memory_space<vmem>>, vector<16xf32>,
    %swap3A_156 = vector.shape_cast %swap3A_155 : vector<16xf32> to vector<16xf32>
    %swap3A_157 = vector.shape_cast %broadcast_in_dim3A_2 : vector<16xf32> to vector<16xf32>
    tpu.vector_store %arg7[%swap3A_154], %swap3A_157 {strides = array<i32>} : memref<640xf32, #tpu.memory_space<vmem>>, vector<16xf32>,
    %swap3A_158 = arith.constant 496 : index
    %swap3A_159 = tpu.vector_load %arg7[%swap3A_158] {strides = array<i32>} : memref<640xf32, #tpu.memory_space<vmem>>, vector<16xf32>,
    %swap3A_160 = vector.shape_cast %swap3A_159 : vector<16xf32> to vector<16xf32>
    %swap3A_161 = vector.shape_cast %broadcast_in_dim3A_2 : vector<16xf32> to vector<16xf32>
    tpu.vector_store %arg7[%swap3A_158], %swap3A_161 {strides = array<i32>} : memref<640xf32, #tpu.memory_space<vmem>>, vector<16xf32>,
    %swap3A_162 = arith.constant 512 : index
    %swap3A_163 = tpu.vector_load %arg7[%swap3A_162] {strides = array<i32>} : memref<640xf32, #tpu.memory_space<vmem>>, vector<16xf32>,
    %swap3A_164 = vector.shape_cast %swap3A_163 : vector<16xf32> to vector<16xf32>
    %swap3A_165 = vector.shape_cast %broadcast_in_dim3A_2 : vector<16xf32> to vector<16xf32>
    tpu.vector_store %arg7[%swap3A_162], %swap3A_165 {strides = array<i32>} : memref<640xf32, #tpu.memory_space<vmem>>, vector<16xf32>,
    %swap3A_166 = arith.constant 528 : index
    %swap3A_167 = tpu.vector_load %arg7[%swap3A_166] {strides = array<i32>} : memref<640xf32, #tpu.memory_space<vmem>>, vector<16xf32>,
    %swap3A_168 = vector.shape_cast %swap3A_167 : vector<16xf32> to vector<16xf32>
    %swap3A_169 = vector.shape_cast %broadcast_in_dim3A_2 : vector<16xf32> to vector<16xf32>
    tpu.vector_store %arg7[%swap3A_166], %swap3A_169 {strides = array<i32>} : memref<640xf32, #tpu.memory_space<vmem>>, vector<16xf32>,
    %swap3A_170 = arith.constant 544 : index
    %swap3A_171 = tpu.vector_load %arg7[%swap3A_170] {strides = array<i32>} : memref<640xf32, #tpu.memory_space<vmem>>, vector<16xf32>,
    %swap3A_172 = vector.shape_cast %swap3A_171 : vector<16xf32> to vector<16xf32>
    %swap3A_173 = vector.shape_cast %broadcast_in_dim3A_2 : vector<16xf32> to vector<16xf32>
    tpu.vector_store %arg7[%swap3A_170], %swap3A_173 {strides = array<i32>} : memref<640xf32, #tpu.memory_space<vmem>>, vector<16xf32>,
    %swap3A_174 = arith.constant 560 : index
    %swap3A_175 = tpu.vector_load %arg7[%swap3A_174] {strides = array<i32>} : memref<640xf32, #tpu.memory_space<vmem>>, vector<16xf32>,
    %swap3A_176 = vector.shape_cast %swap3A_175 : vector<16xf32> to vector<16xf32>
    %swap3A_177 = vector.shape_cast %broadcast_in_dim3A_2 : vector<16xf32> to vector<16xf32>
    tpu.vector_store %arg7[%swap3A_174], %swap3A_177 {strides = array<i32>} : memref<640xf32, #tpu.memory_space<vmem>>, vector<16xf32>,
    %swap3A_178 = arith.constant 576 : index
    %swap3A_179 = tpu.vector_load %arg7[%swap3A_178] {strides = array<i32>} : memref<640xf32, #tpu.memory_space<vmem>>, vector<16xf32>,
    %swap3A_180 = vector.shape_cast %swap3A_179 : vector<16xf32> to vector<16xf32>
    %swap3A_181 = vector.shape_cast %broadcast_in_dim3A_2 : vector<16xf32> to vector<16xf32>
    tpu.vector_store %arg7[%swap3A_178], %swap3A_181 {strides = array<i32>} : memref<640xf32, #tpu.memory_space<vmem>>, vector<16xf32>,
    %swap3A_182 = arith.constant 592 : index
    %swap3A_183 = tpu.vector_load %arg7[%swap3A_182] {strides = array<i32>} : memref<640xf32, #tpu.memory_space<vmem>>, vector<16xf32>,
    %swap3A_184 = vector.shape_cast %swap3A_183 : vector<16xf32> to vector<16xf32>
    %swap3A_185 = vector.shape_cast %broadcast_in_dim3A_2 : vector<16xf32> to vector<16xf32>
    tpu.vector_store %arg7[%swap3A_182], %swap3A_185 {strides = array<i32>} : memref<640xf32, #tpu.memory_space<vmem>>, vector<16xf32>,
    %swap3A_186 = arith.constant 608 : index
    %swap3A_187 = tpu.vector_load %arg7[%swap3A_186] {strides = array<i32>} : memref<640xf32, #tpu.memory_space<vmem>>, vector<16xf32>,
    %swap3A_188 = vector.shape_cast %swap3A_187 : vector<16xf32> to vector<16xf32>
    %swap3A_189 = vector.shape_cast %broadcast_in_dim3A_2 : vector<16xf32> to vector<16xf32>
    tpu.vector_store %arg7[%swap3A_186], %swap3A_189 {strides = array<i32>} : memref<640xf32, #tpu.memory_space<vmem>>, vector<16xf32>,
    %swap3A_190 = arith.constant 624 : index
    %swap3A_191 = tpu.vector_load %arg7[%swap3A_190] {strides = array<i32>} : memref<640xf32, #tpu.memory_space<vmem>>, vector<16xf32>,
    %swap3A_192 = vector.shape_cast %swap3A_191 : vector<16xf32> to vector<16xf32>
    %swap3A_193 = vector.shape_cast %broadcast_in_dim3A_2 : vector<16xf32> to vector<16xf32>
    tpu.vector_store %arg7[%swap3A_190], %swap3A_193 {strides = array<i32>} : memref<640xf32, #tpu.memory_space<vmem>>, vector<16xf32>,
    %mul3A = arith.constant 640 : i32
    %mul3A_194 = arith.muli %arg1, %mul3A : i32
    "tpu.region"() ({
      %run_scoped3A = tpu.sem_alloc : memref<!tpu.dma_semaphore, #tpu.memory_space<semaphore_mem>>
      %dma_start3A_226 = tpu.memref_slice %arg8[%mul3A_194] : memref<10240xf32, #tpu.memory_space<vmem_shared>> -> memref<640xf32, #tpu.memory_space<vmem_shared>>
      %dma_start3A_227 = tpu.memref_slice %arg8[%mul3A_194] : memref<10240xf32, #tpu.memory_space<vmem_shared>> -> memref<640xf32, #tpu.memory_space<vmem_shared>>
      tpu.enqueue_dma source(%arg7 : memref<640xf32, #tpu.memory_space<vmem>>) target(%dma_start3A_227 : memref<640xf32, #tpu.memory_space<vmem_shared>>) target_semaphore(%run_scoped3A : memref<!tpu.dma_semaphore, #tpu.memory_space<semaphore_mem>>)
      %dma_wait3A_228 = tpu.memref_slice %arg8[%mul3A_194] : memref<10240xf32, #tpu.memory_space<vmem_shared>> -> memref<640xf32, #tpu.memory_space<vmem_shared>>
      %dma_wait3A_229 = tpu.memref_slice %arg8[%mul3A_194] : memref<10240xf32, #tpu.memory_space<vmem_shared>> -> memref<640xf32, #tpu.memory_space<vmem_shared>>
      tpu.wait_dma2 semaphore(%run_scoped3A : memref<!tpu.dma_semaphore, #tpu.memory_space<semaphore_mem>>) src(%arg7 : memref<640xf32, #tpu.memory_space<vmem>>) dst(%dma_wait3A_229 : memref<640xf32, #tpu.memory_space<vmem_shared>>)
      tpu.yield
    }) : () -> ()
    %barrier3A = arith.constant 0 : index
    tpu.barrier barrier_id(%barrier3A)
    %mul3A_195 = arith.constant 2 : i32
    %mul3A_196 = arith.muli %arg1, %mul3A_195 : i32
    %add3A = arith.addi %mul3A_196, %arg0 : i32
    %mul3A_197 = arith.constant 80 : i32
    %mul3A_198 = arith.muli %add3A, %mul3A_197 : i32
    %mul3A_199 = arith.constant 128 : i32
    %mul3A_200 = arith.muli %mul3A_198, %mul3A_199 : i32
    %add3A_201 = arith.constant 0 : i32
    %add3A_202 = arith.addi %mul3A_200, %add3A_201 : i32
    %dma_start3A = arith.constant 0 : i32
    %dma_start3A_203 = tpu.memref_slice %arg2[%dma_start3A, %add3A_202] : memref<2x327680xi32, #tpu.memory_space<hbm>> -> memref<1x128xi32, #tpu.memory_space<hbm>>
    %dma_start3A_204 = tpu.memref_squeeze %dma_start3A_203 : memref<1x128xi32, #tpu.memory_space<hbm>> -> memref<128xi32, #tpu.memory_space<hbm>>
    %dma_start3A_205 = tpu.memref_slice %arg2[%dma_start3A, %add3A_202] : memref<2x327680xi32, #tpu.memory_space<hbm>> -> memref<1x128xi32, #tpu.memory_space<hbm>>
    %dma_start3A_206 = tpu.memref_squeeze %dma_start3A_205 : memref<1x128xi32, #tpu.memory_space<hbm>> -> memref<128xi32, #tpu.memory_space<hbm>>
    tpu.enqueue_dma source(%dma_start3A_206 : memref<128xi32, #tpu.memory_space<hbm>>) target(%arg4 : memref<128xi32, #tpu.memory_space<vmem>>) target_semaphore(%arg9 : memref<!tpu.dma_semaphore, #tpu.memory_space<semaphore_mem>>)
    %add3A_207 = arith.constant 128 : i32
    %add3A_208 = arith.addi %mul3A_200, %add3A_207 : i32
    %dma_start3A_209 = arith.constant 0 : i32
    %dma_start3A_210 = tpu.memref_slice %arg2[%dma_start3A_209, %add3A_208] : memref<2x327680xi32, #tpu.memory_space<hbm>> -> memref<1x128xi32, #tpu.memory_space<hbm>>
    %dma_start3A_211 = tpu.memref_squeeze %dma_start3A_210 : memref<1x128xi32, #tpu.memory_space<hbm>> -> memref<128xi32, #tpu.memory_space<hbm>>
    %dma_start3A_212 = tpu.memref_slice %arg2[%dma_start3A_209, %add3A_208] : memref<2x327680xi32, #tpu.memory_space<hbm>> -> memref<1x128xi32, #tpu.memory_space<hbm>>
    %dma_start3A_213 = tpu.memref_squeeze %dma_start3A_212 : memref<1x128xi32, #tpu.memory_space<hbm>> -> memref<128xi32, #tpu.memory_space<hbm>>
    tpu.enqueue_dma source(%dma_start3A_213 : memref<128xi32, #tpu.memory_space<hbm>>) target(%arg5 : memref<128xi32, #tpu.memory_space<vmem>>) target_semaphore(%arg10 : memref<!tpu.dma_semaphore, #tpu.memory_space<semaphore_mem>>)
    %scan3A = arith.constant 0 : i32
    %scan3A_214 = arith.constant 40 : i32
    %scan3A_215 = arith.addi %scan3A, %scan3A_214 : i32
    %scan3A_216 = arith.constant 1 : i32
    scf.for %scan3A_226 = %scan3A to %scan3A_215 step %scan3A_216  : i32 {
      %mul3A_227 = arith.constant 2 : i32
      %mul3A_228 = arith.muli %mul3A_227, %scan3A_226 : i32
      %add3A_229 = arith.constant 0 : i32
      %add3A_230 = arith.addi %mul3A_228, %add3A_229 : i32
      %dma_wait3A_231 = arith.constant 0 : i32
      %dma_wait3A_232 = tpu.memref_slice %arg2[%dma_wait3A_231, %mul3A_200] : memref<2x327680xi32, #tpu.memory_space<hbm>> -> memref<1x128xi32, #tpu.memory_space<hbm>>
      %dma_wait3A_233 = tpu.memref_squeeze %dma_wait3A_232 : memref<1x128xi32, #tpu.memory_space<hbm>> -> memref<128xi32, #tpu.memory_space<hbm>>
      %dma_wait3A_234 = tpu.memref_slice %arg2[%dma_wait3A_231, %mul3A_200] : memref<2x327680xi32, #tpu.memory_space<hbm>> -> memref<1x128xi32, #tpu.memory_space<hbm>>
      %dma_wait3A_235 = tpu.memref_squeeze %dma_wait3A_234 : memref<1x128xi32, #tpu.memory_space<hbm>> -> memref<128xi32, #tpu.memory_space<hbm>>
      tpu.wait_dma2 semaphore(%arg9 : memref<!tpu.dma_semaphore, #tpu.memory_space<semaphore_mem>>) src(%dma_wait3A_235 : memref<128xi32, #tpu.memory_space<hbm>>) dst(%arg4 : memref<128xi32, #tpu.memory_space<vmem>>)
      %dma_start3A_236 = arith.constant 0 : i32
      %dma_start3A_237 = tpu.memref_slice %arg8[%dma_start3A_236] : memref<10240xf32, #tpu.memory_space<vmem_shared>> -> memref<10240xf32, #tpu.memory_space<vmem_shared>>
      tpu.enqueue_indirect_dma source(%arg6 : memref<128xf32, #tpu.memory_space<vmem>>) target(%dma_start3A_237 : memref<10240xf32, #tpu.memory_space<vmem_shared>>) offsets(%arg4 : memref<128xi32, #tpu.memory_space<vmem>>) semaphore(%arg11 : memref<!tpu.dma_semaphore, #tpu.memory_space<semaphore_mem>>) {add = true}
      %add3A_238 = arith.constant 2 : i32
      %add3A_239 = arith.addi %add3A_230, %add3A_238 : i32
      %lt3A = arith.constant 80 : i32
      %lt3A_240 = arith.cmpi slt, %add3A_239, %lt3A : i32
      %convert_element_type3A = arith.extui %lt3A_240 : i1 to i32
      %cond3A = arith.constant 0 : i32
      %cond3A_241 = arith.cmpi ne, %convert_element_type3A, %cond3A : i32
      scf.if %cond3A_241 {
        %dma_wait3A_258 = arith.constant 0 : i32
        %dma_wait3A_259 = tpu.memref_slice %arg8[%dma_wait3A_258] : memref<10240xf32, #tpu.memory_space<vmem_shared>> -> memref<10240xf32, #tpu.memory_space<vmem_shared>>
        tpu.wait_indirect_dma semaphore(%arg11 : memref<!tpu.dma_semaphore, #tpu.memory_space<semaphore_mem>>) src(%arg6 : memref<128xf32, #tpu.memory_space<vmem>>) dst(%dma_wait3A_259 : memref<10240xf32, #tpu.memory_space<vmem_shared>>)
        %add3A_260 = arith.constant 2 : i32
        %add3A_261 = arith.addi %add3A_230, %add3A_260 : i32
        %mul3A_262 = arith.constant 128 : i32
        %mul3A_263 = arith.muli %add3A_261, %mul3A_262 : i32
        %add3A_264 = arith.addi %mul3A_200, %mul3A_263 : i32
        %dma_start3A_265 = arith.constant 0 : i32
        %dma_start3A_266 = tpu.memref_slice %arg2[%dma_start3A_265, %add3A_264] : memref<2x327680xi32, #tpu.memory_space<hbm>> -> memref<1x128xi32, #tpu.memory_space<hbm>>
        %dma_start3A_267 = tpu.memref_squeeze %dma_start3A_266 : memref<1x128xi32, #tpu.memory_space<hbm>> -> memref<128xi32, #tpu.memory_space<hbm>>
        %dma_start3A_268 = tpu.memref_slice %arg2[%dma_start3A_265, %add3A_264] : memref<2x327680xi32, #tpu.memory_space<hbm>> -> memref<1x128xi32, #tpu.memory_space<hbm>>
        %dma_start3A_269 = tpu.memref_squeeze %dma_start3A_268 : memref<1x128xi32, #tpu.memory_space<hbm>> -> memref<128xi32, #tpu.memory_space<hbm>>
        tpu.enqueue_dma source(%dma_start3A_269 : memref<128xi32, #tpu.memory_space<hbm>>) target(%arg4 : memref<128xi32, #tpu.memory_space<vmem>>) target_semaphore(%arg9 : memref<!tpu.dma_semaphore, #tpu.memory_space<semaphore_mem>>)
      } else {
      }
      %add3A_242 = arith.constant 1 : i32
      %add3A_243 = arith.addi %mul3A_228, %add3A_242 : i32
      %dma_wait3A_244 = arith.constant 0 : i32
      %dma_wait3A_245 = tpu.memref_slice %arg2[%dma_wait3A_244, %mul3A_200] : memref<2x327680xi32, #tpu.memory_space<hbm>> -> memref<1x128xi32, #tpu.memory_space<hbm>>
      %dma_wait3A_246 = tpu.memref_squeeze %dma_wait3A_245 : memref<1x128xi32, #tpu.memory_space<hbm>> -> memref<128xi32, #tpu.memory_space<hbm>>
      %dma_wait3A_247 = tpu.memref_slice %arg2[%dma_wait3A_244, %mul3A_200] : memref<2x327680xi32, #tpu.memory_space<hbm>> -> memref<1x128xi32, #tpu.memory_space<hbm>>
      %dma_wait3A_248 = tpu.memref_squeeze %dma_wait3A_247 : memref<1x128xi32, #tpu.memory_space<hbm>> -> memref<128xi32, #tpu.memory_space<hbm>>
      tpu.wait_dma2 semaphore(%arg10 : memref<!tpu.dma_semaphore, #tpu.memory_space<semaphore_mem>>) src(%dma_wait3A_248 : memref<128xi32, #tpu.memory_space<hbm>>) dst(%arg5 : memref<128xi32, #tpu.memory_space<vmem>>)
      %dma_start3A_249 = arith.constant 0 : i32
      %dma_start3A_250 = tpu.memref_slice %arg8[%dma_start3A_249] : memref<10240xf32, #tpu.memory_space<vmem_shared>> -> memref<10240xf32, #tpu.memory_space<vmem_shared>>
      tpu.enqueue_indirect_dma source(%arg6 : memref<128xf32, #tpu.memory_space<vmem>>) target(%dma_start3A_250 : memref<10240xf32, #tpu.memory_space<vmem_shared>>) offsets(%arg5 : memref<128xi32, #tpu.memory_space<vmem>>) semaphore(%arg12 : memref<!tpu.dma_semaphore, #tpu.memory_space<semaphore_mem>>) {add = true}
      %add3A_251 = arith.constant 2 : i32
      %add3A_252 = arith.addi %add3A_243, %add3A_251 : i32
      %lt3A_253 = arith.constant 80 : i32
      %lt3A_254 = arith.cmpi slt, %add3A_252, %lt3A_253 : i32
      %convert_element_type3A_255 = arith.extui %lt3A_254 : i1 to i32
      %cond3A_256 = arith.constant 0 : i32
      %cond3A_257 = arith.cmpi ne, %convert_element_type3A_255, %cond3A_256 : i32
      scf.if %cond3A_257 {
        %dma_wait3A_258 = arith.constant 0 : i32
        %dma_wait3A_259 = tpu.memref_slice %arg8[%dma_wait3A_258] : memref<10240xf32, #tpu.memory_space<vmem_shared>> -> memref<10240xf32, #tpu.memory_space<vmem_shared>>
        tpu.wait_indirect_dma semaphore(%arg12 : memref<!tpu.dma_semaphore, #tpu.memory_space<semaphore_mem>>) src(%arg6 : memref<128xf32, #tpu.memory_space<vmem>>) dst(%dma_wait3A_259 : memref<10240xf32, #tpu.memory_space<vmem_shared>>)
        %add3A_260 = arith.constant 2 : i32
        %add3A_261 = arith.addi %add3A_243, %add3A_260 : i32
        %mul3A_262 = arith.constant 128 : i32
        %mul3A_263 = arith.muli %add3A_261, %mul3A_262 : i32
        %add3A_264 = arith.addi %mul3A_200, %mul3A_263 : i32
        %dma_start3A_265 = arith.constant 0 : i32
        %dma_start3A_266 = tpu.memref_slice %arg2[%dma_start3A_265, %add3A_264] : memref<2x327680xi32, #tpu.memory_space<hbm>> -> memref<1x128xi32, #tpu.memory_space<hbm>>
        %dma_start3A_267 = tpu.memref_squeeze %dma_start3A_266 : memref<1x128xi32, #tpu.memory_space<hbm>> -> memref<128xi32, #tpu.memory_space<hbm>>
        %dma_start3A_268 = tpu.memref_slice %arg2[%dma_start3A_265, %add3A_264] : memref<2x327680xi32, #tpu.memory_space<hbm>> -> memref<1x128xi32, #tpu.memory_space<hbm>>
        %dma_start3A_269 = tpu.memref_squeeze %dma_start3A_268 : memref<1x128xi32, #tpu.memory_space<hbm>> -> memref<128xi32, #tpu.memory_space<hbm>>
        tpu.enqueue_dma source(%dma_start3A_269 : memref<128xi32, #tpu.memory_space<hbm>>) target(%arg5 : memref<128xi32, #tpu.memory_space<vmem>>) target_semaphore(%arg10 : memref<!tpu.dma_semaphore, #tpu.memory_space<semaphore_mem>>)
      } else {
      }
    }
    %scan3A_217 = arith.constant 40 : i32
    %dma_wait3A = arith.constant 0 : i32
    %dma_wait3A_218 = tpu.memref_slice %arg8[%dma_wait3A] : memref<10240xf32, #tpu.memory_space<vmem_shared>> -> memref<10240xf32, #tpu.memory_space<vmem_shared>>
    tpu.wait_indirect_dma semaphore(%arg11 : memref<!tpu.dma_semaphore, #tpu.memory_space<semaphore_mem>>) src(%arg6 : memref<128xf32, #tpu.memory_space<vmem>>) dst(%dma_wait3A_218 : memref<10240xf32, #tpu.memory_space<vmem_shared>>)
    %dma_wait3A_219 = arith.constant 0 : i32
    %dma_wait3A_220 = tpu.memref_slice %arg8[%dma_wait3A_219] : memref<10240xf32, #tpu.memory_space<vmem_shared>> -> memref<10240xf32, #tpu.memory_space<vmem_shared>>
    tpu.wait_indirect_dma semaphore(%arg12 : memref<!tpu.dma_semaphore, #tpu.memory_space<semaphore_mem>>) src(%arg6 : memref<128xf32, #tpu.memory_space<vmem>>) dst(%dma_wait3A_220 : memref<10240xf32, #tpu.memory_space<vmem_shared>>)
    %barrier3A_221 = arith.constant 0 : index
    tpu.barrier barrier_id(%barrier3A_221)
    %mul3A_222 = arith.constant 640 : i32
    %mul3A_223 = arith.muli %arg1, %mul3A_222 : i32
    %mul3A_224 = arith.constant 640 : i32
    %mul3A_225 = arith.muli %arg1, %mul3A_224 : i32
    "tpu.region"() ({
      %run_scoped3A = tpu.sem_alloc : memref<!tpu.dma_semaphore, #tpu.memory_space<semaphore_mem>>
      %dma_start3A_226 = tpu.memref_slice %arg3[%arg0, %mul3A_225] : memref<2x10240xf32, #tpu.memory_space<hbm>> -> memref<1x640xf32, #tpu.memory_space<hbm>>
      %dma_start3A_227 = tpu.memref_squeeze %dma_start3A_226 : memref<1x640xf32, #tpu.memory_space<hbm>> -> memref<640xf32, #tpu.memory_space<hbm>>
      %dma_start3A_228 = tpu.memref_slice %arg8[%mul3A_223] : memref<10240xf32, #tpu.memory_space<vmem_shared>> -> memref<640xf32, #tpu.memory_space<vmem_shared>>
      tpu.enqueue_dma source(%dma_start3A_228 : memref<640xf32, #tpu.memory_space<vmem_shared>>) target(%dma_start3A_227 : memref<640xf32, #tpu.memory_space<hbm>>) target_semaphore(%run_scoped3A : memref<!tpu.dma_semaphore, #tpu.memory_space<semaphore_mem>>)
      %dma_wait3A_229 = tpu.memref_slice %arg3[%arg0, %mul3A_225] : memref<2x10240xf32, #tpu.memory_space<hbm>> -> memref<1x640xf32, #tpu.memory_space<hbm>>
      %dma_wait3A_230 = tpu.memref_squeeze %dma_wait3A_229 : memref<1x640xf32, #tpu.memory_space<hbm>> -> memref<640xf32, #tpu.memory_space<hbm>>
      %dma_wait3A_231 = tpu.memref_slice %arg8[%mul3A_223] : memref<10240xf32, #tpu.memory_space<vmem_shared>> -> memref<640xf32, #tpu.memory_space<vmem_shared>>
      tpu.wait_dma2 semaphore(%run_scoped3A : memref<!tpu.dma_semaphore, #tpu.memory_space<semaphore_mem>>) src(%dma_wait3A_231 : memref<640xf32, #tpu.memory_space<vmem_shared>>) dst(%dma_wait3A_230 : memref<640xf32, #tpu.memory_space<hbm>>)
      tpu.yield
    }) : () -> ()
    return
  }
}

#map = affine_map<(d0, d1) -> (0, 0)>
#map1 = affine_map<(d0, d1) -> (0, 0, 0)>
module attributes {stable_mosaic.version = 14 : i64} {
  func.func @_message_body(%arg0: i32, %arg1: i32, %arg2: memref<10240x128xf32, #tpu.memory_space<hbm>>, %arg3: memref<2x327680xi32, #tpu.memory_space<hbm>>, %arg4: memref<2x10240x128xf32, #tpu.memory_space<hbm>>, %arg5: memref<2x10240xf32, #tpu.memory_space<hbm>>, %arg6: memref<10240xi32, #tpu.memory_space<vmem>>, %arg7: memref<128xi32, #tpu.memory_space<vmem>>, %arg8: memref<128xi32, #tpu.memory_space<vmem>>, %arg9: memref<128x128xf32, #tpu.memory_space<vmem>>, %arg10: memref<128x128xf32, #tpu.memory_space<vmem>>, %arg11: memref<16x128xf32, #tpu.memory_space<vmem>>, %arg12: memref<128xf32, #tpu.memory_space<vmem>>, %arg13: memref<640xf32, #tpu.memory_space<vmem>>, %arg14: memref<10240x128xf32, #tpu.memory_space<vmem_shared>>, %arg15: memref<10240xf32, #tpu.memory_space<vmem_shared>>, %arg16: memref<!tpu.dma_semaphore, #tpu.memory_space<semaphore_mem>>, %arg17: memref<!tpu.dma_semaphore, #tpu.memory_space<semaphore_mem>>, %arg18: memref<!tpu.dma_semaphore, #tpu.memory_space<semaphore_mem>>, %arg19: memref<!tpu.dma_semaphore, #tpu.memory_space<semaphore_mem>>, %arg20: memref<!tpu.dma_semaphore, #tpu.memory_space<semaphore_mem>>, %arg21: memref<!tpu.dma_semaphore, #tpu.memory_space<semaphore_mem>>, %arg22: memref<!tpu.dma_semaphore, #tpu.memory_space<semaphore_mem>>, %arg23: memref<!tpu.dma_semaphore, #tpu.memory_space<semaphore_mem>>) attributes {dimension_semantics = [#tpu.dimension_semantics<core_parallel>, #tpu.dimension_semantics<subcore_parallel>], iteration_bounds = array<i64: 2, 16>, scalar_prefetch = 0 : i64, scratch_operands = 18 : i64, tpu.core_type = #tpu.core_type<sc_vector_subcore>, window_params = [{transform_indices = #map}, {transform_indices = #map}, {transform_indices = #map1}, {transform_indices = #map}]} {
    %mul3A = arith.constant 2 : i32
    %mul3A_0 = arith.muli %arg1, %mul3A : i32
    %add3A = arith.addi %mul3A_0, %arg0 : i32
    %mul3A_1 = arith.constant 10240 : i32
    %mul3A_2 = arith.muli %add3A, %mul3A_1 : i32
    %broadcast_in_dim3A = arith.constant 1.000000e+00 : f32
    %broadcast_in_dim3A_3 = vector.broadcast %broadcast_in_dim3A : f32 to vector<16xf32>
    %broadcast_in_dim3A_4 = arith.constant 0.000000e+00 : f32
    %broadcast_in_dim3A_5 = vector.broadcast %broadcast_in_dim3A_4 : f32 to vector<16xf32>
    %swap3A = arith.constant 0 : index
    %swap3A_6 = tpu.vector_load %arg12[%swap3A] {strides = array<i32>} : memref<128xf32, #tpu.memory_space<vmem>>, vector<16xf32>,
    %swap3A_7 = vector.shape_cast %swap3A_6 : vector<16xf32> to vector<16xf32>
    %swap3A_8 = vector.shape_cast %broadcast_in_dim3A_3 : vector<16xf32> to vector<16xf32>
    tpu.vector_store %arg12[%swap3A], %swap3A_8 {strides = array<i32>} : memref<128xf32, #tpu.memory_space<vmem>>, vector<16xf32>,
    %swap3A_9 = arith.constant 16 : index
    %swap3A_10 = tpu.vector_load %arg12[%swap3A_9] {strides = array<i32>} : memref<128xf32, #tpu.memory_space<vmem>>, vector<16xf32>,
    %swap3A_11 = vector.shape_cast %swap3A_10 : vector<16xf32> to vector<16xf32>
    %swap3A_12 = vector.shape_cast %broadcast_in_dim3A_3 : vector<16xf32> to vector<16xf32>
    tpu.vector_store %arg12[%swap3A_9], %swap3A_12 {strides = array<i32>} : memref<128xf32, #tpu.memory_space<vmem>>, vector<16xf32>,
    %swap3A_13 = arith.constant 32 : index
    %swap3A_14 = tpu.vector_load %arg12[%swap3A_13] {strides = array<i32>} : memref<128xf32, #tpu.memory_space<vmem>>, vector<16xf32>,
    %swap3A_15 = vector.shape_cast %swap3A_14 : vector<16xf32> to vector<16xf32>
    %swap3A_16 = vector.shape_cast %broadcast_in_dim3A_3 : vector<16xf32> to vector<16xf32>
    tpu.vector_store %arg12[%swap3A_13], %swap3A_16 {strides = array<i32>} : memref<128xf32, #tpu.memory_space<vmem>>, vector<16xf32>,
    %swap3A_17 = arith.constant 48 : index
    %swap3A_18 = tpu.vector_load %arg12[%swap3A_17] {strides = array<i32>} : memref<128xf32, #tpu.memory_space<vmem>>, vector<16xf32>,
    %swap3A_19 = vector.shape_cast %swap3A_18 : vector<16xf32> to vector<16xf32>
    %swap3A_20 = vector.shape_cast %broadcast_in_dim3A_3 : vector<16xf32> to vector<16xf32>
    tpu.vector_store %arg12[%swap3A_17], %swap3A_20 {strides = array<i32>} : memref<128xf32, #tpu.memory_space<vmem>>, vector<16xf32>,
    %swap3A_21 = arith.constant 64 : index
    %swap3A_22 = tpu.vector_load %arg12[%swap3A_21] {strides = array<i32>} : memref<128xf32, #tpu.memory_space<vmem>>, vector<16xf32>,
    %swap3A_23 = vector.shape_cast %swap3A_22 : vector<16xf32> to vector<16xf32>
    %swap3A_24 = vector.shape_cast %broadcast_in_dim3A_3 : vector<16xf32> to vector<16xf32>
    tpu.vector_store %arg12[%swap3A_21], %swap3A_24 {strides = array<i32>} : memref<128xf32, #tpu.memory_space<vmem>>, vector<16xf32>,
    %swap3A_25 = arith.constant 80 : index
    %swap3A_26 = tpu.vector_load %arg12[%swap3A_25] {strides = array<i32>} : memref<128xf32, #tpu.memory_space<vmem>>, vector<16xf32>,
    %swap3A_27 = vector.shape_cast %swap3A_26 : vector<16xf32> to vector<16xf32>
    %swap3A_28 = vector.shape_cast %broadcast_in_dim3A_3 : vector<16xf32> to vector<16xf32>
    tpu.vector_store %arg12[%swap3A_25], %swap3A_28 {strides = array<i32>} : memref<128xf32, #tpu.memory_space<vmem>>, vector<16xf32>,
    %swap3A_29 = arith.constant 96 : index
    %swap3A_30 = tpu.vector_load %arg12[%swap3A_29] {strides = array<i32>} : memref<128xf32, #tpu.memory_space<vmem>>, vector<16xf32>,
    %swap3A_31 = vector.shape_cast %swap3A_30 : vector<16xf32> to vector<16xf32>
    %swap3A_32 = vector.shape_cast %broadcast_in_dim3A_3 : vector<16xf32> to vector<16xf32>
    tpu.vector_store %arg12[%swap3A_29], %swap3A_32 {strides = array<i32>} : memref<128xf32, #tpu.memory_space<vmem>>, vector<16xf32>,
    %swap3A_33 = arith.constant 112 : index
    %swap3A_34 = tpu.vector_load %arg12[%swap3A_33] {strides = array<i32>} : memref<128xf32, #tpu.memory_space<vmem>>, vector<16xf32>,
    %swap3A_35 = vector.shape_cast %swap3A_34 : vector<16xf32> to vector<16xf32>
    %swap3A_36 = vector.shape_cast %broadcast_in_dim3A_3 : vector<16xf32> to vector<16xf32>
    tpu.vector_store %arg12[%swap3A_33], %swap3A_36 {strides = array<i32>} : memref<128xf32, #tpu.memory_space<vmem>>, vector<16xf32>,
    %swap3A_37 = arith.constant 0 : index
    %swap3A_38 = tpu.vector_load %arg13[%swap3A_37] {strides = array<i32>} : memref<640xf32, #tpu.memory_space<vmem>>, vector<16xf32>,
    %swap3A_39 = vector.shape_cast %swap3A_38 : vector<16xf32> to vector<16xf32>
    %swap3A_40 = vector.shape_cast %broadcast_in_dim3A_5 : vector<16xf32> to vector<16xf32>
    tpu.vector_store %arg13[%swap3A_37], %swap3A_40 {strides = array<i32>} : memref<640xf32, #tpu.memory_space<vmem>>, vector<16xf32>,
    %swap3A_41 = arith.constant 16 : index
    %swap3A_42 = tpu.vector_load %arg13[%swap3A_41] {strides = array<i32>} : memref<640xf32, #tpu.memory_space<vmem>>, vector<16xf32>,
    %swap3A_43 = vector.shape_cast %swap3A_42 : vector<16xf32> to vector<16xf32>
    %swap3A_44 = vector.shape_cast %broadcast_in_dim3A_5 : vector<16xf32> to vector<16xf32>
    tpu.vector_store %arg13[%swap3A_41], %swap3A_44 {strides = array<i32>} : memref<640xf32, #tpu.memory_space<vmem>>, vector<16xf32>,
    %swap3A_45 = arith.constant 32 : index
    %swap3A_46 = tpu.vector_load %arg13[%swap3A_45] {strides = array<i32>} : memref<640xf32, #tpu.memory_space<vmem>>, vector<16xf32>,
    %swap3A_47 = vector.shape_cast %swap3A_46 : vector<16xf32> to vector<16xf32>
    %swap3A_48 = vector.shape_cast %broadcast_in_dim3A_5 : vector<16xf32> to vector<16xf32>
    tpu.vector_store %arg13[%swap3A_45], %swap3A_48 {strides = array<i32>} : memref<640xf32, #tpu.memory_space<vmem>>, vector<16xf32>,
    %swap3A_49 = arith.constant 48 : index
    %swap3A_50 = tpu.vector_load %arg13[%swap3A_49] {strides = array<i32>} : memref<640xf32, #tpu.memory_space<vmem>>, vector<16xf32>,
    %swap3A_51 = vector.shape_cast %swap3A_50 : vector<16xf32> to vector<16xf32>
    %swap3A_52 = vector.shape_cast %broadcast_in_dim3A_5 : vector<16xf32> to vector<16xf32>
    tpu.vector_store %arg13[%swap3A_49], %swap3A_52 {strides = array<i32>} : memref<640xf32, #tpu.memory_space<vmem>>, vector<16xf32>,
    %swap3A_53 = arith.constant 64 : index
    %swap3A_54 = tpu.vector_load %arg13[%swap3A_53] {strides = array<i32>} : memref<640xf32, #tpu.memory_space<vmem>>, vector<16xf32>,
    %swap3A_55 = vector.shape_cast %swap3A_54 : vector<16xf32> to vector<16xf32>
    %swap3A_56 = vector.shape_cast %broadcast_in_dim3A_5 : vector<16xf32> to vector<16xf32>
    tpu.vector_store %arg13[%swap3A_53], %swap3A_56 {strides = array<i32>} : memref<640xf32, #tpu.memory_space<vmem>>, vector<16xf32>,
    %swap3A_57 = arith.constant 80 : index
    %swap3A_58 = tpu.vector_load %arg13[%swap3A_57] {strides = array<i32>} : memref<640xf32, #tpu.memory_space<vmem>>, vector<16xf32>,
    %swap3A_59 = vector.shape_cast %swap3A_58 : vector<16xf32> to vector<16xf32>
    %swap3A_60 = vector.shape_cast %broadcast_in_dim3A_5 : vector<16xf32> to vector<16xf32>
    tpu.vector_store %arg13[%swap3A_57], %swap3A_60 {strides = array<i32>} : memref<640xf32, #tpu.memory_space<vmem>>, vector<16xf32>,
    %swap3A_61 = arith.constant 96 : index
    %swap3A_62 = tpu.vector_load %arg13[%swap3A_61] {strides = array<i32>} : memref<640xf32, #tpu.memory_space<vmem>>, vector<16xf32>,
    %swap3A_63 = vector.shape_cast %swap3A_62 : vector<16xf32> to vector<16xf32>
    %swap3A_64 = vector.shape_cast %broadcast_in_dim3A_5 : vector<16xf32> to vector<16xf32>
    tpu.vector_store %arg13[%swap3A_61], %swap3A_64 {strides = array<i32>} : memref<640xf32, #tpu.memory_space<vmem>>, vector<16xf32>,
    %swap3A_65 = arith.constant 112 : index
    %swap3A_66 = tpu.vector_load %arg13[%swap3A_65] {strides = array<i32>} : memref<640xf32, #tpu.memory_space<vmem>>, vector<16xf32>,
    %swap3A_67 = vector.shape_cast %swap3A_66 : vector<16xf32> to vector<16xf32>
    %swap3A_68 = vector.shape_cast %broadcast_in_dim3A_5 : vector<16xf32> to vector<16xf32>
    tpu.vector_store %arg13[%swap3A_65], %swap3A_68 {strides = array<i32>} : memref<640xf32, #tpu.memory_space<vmem>>, vector<16xf32>,
    %swap3A_69 = arith.constant 128 : index
    %swap3A_70 = tpu.vector_load %arg13[%swap3A_69] {strides = array<i32>} : memref<640xf32, #tpu.memory_space<vmem>>, vector<16xf32>,
    %swap3A_71 = vector.shape_cast %swap3A_70 : vector<16xf32> to vector<16xf32>
    %swap3A_72 = vector.shape_cast %broadcast_in_dim3A_5 : vector<16xf32> to vector<16xf32>
    tpu.vector_store %arg13[%swap3A_69], %swap3A_72 {strides = array<i32>} : memref<640xf32, #tpu.memory_space<vmem>>, vector<16xf32>,
    %swap3A_73 = arith.constant 144 : index
    %swap3A_74 = tpu.vector_load %arg13[%swap3A_73] {strides = array<i32>} : memref<640xf32, #tpu.memory_space<vmem>>, vector<16xf32>,
    %swap3A_75 = vector.shape_cast %swap3A_74 : vector<16xf32> to vector<16xf32>
    %swap3A_76 = vector.shape_cast %broadcast_in_dim3A_5 : vector<16xf32> to vector<16xf32>
    tpu.vector_store %arg13[%swap3A_73], %swap3A_76 {strides = array<i32>} : memref<640xf32, #tpu.memory_space<vmem>>, vector<16xf32>,
    %swap3A_77 = arith.constant 160 : index
    %swap3A_78 = tpu.vector_load %arg13[%swap3A_77] {strides = array<i32>} : memref<640xf32, #tpu.memory_space<vmem>>, vector<16xf32>,
    %swap3A_79 = vector.shape_cast %swap3A_78 : vector<16xf32> to vector<16xf32>
    %swap3A_80 = vector.shape_cast %broadcast_in_dim3A_5 : vector<16xf32> to vector<16xf32>
    tpu.vector_store %arg13[%swap3A_77], %swap3A_80 {strides = array<i32>} : memref<640xf32, #tpu.memory_space<vmem>>, vector<16xf32>,
    %swap3A_81 = arith.constant 176 : index
    %swap3A_82 = tpu.vector_load %arg13[%swap3A_81] {strides = array<i32>} : memref<640xf32, #tpu.memory_space<vmem>>, vector<16xf32>,
    %swap3A_83 = vector.shape_cast %swap3A_82 : vector<16xf32> to vector<16xf32>
    %swap3A_84 = vector.shape_cast %broadcast_in_dim3A_5 : vector<16xf32> to vector<16xf32>
    tpu.vector_store %arg13[%swap3A_81], %swap3A_84 {strides = array<i32>} : memref<640xf32, #tpu.memory_space<vmem>>, vector<16xf32>,
    %swap3A_85 = arith.constant 192 : index
    %swap3A_86 = tpu.vector_load %arg13[%swap3A_85] {strides = array<i32>} : memref<640xf32, #tpu.memory_space<vmem>>, vector<16xf32>,
    %swap3A_87 = vector.shape_cast %swap3A_86 : vector<16xf32> to vector<16xf32>
    %swap3A_88 = vector.shape_cast %broadcast_in_dim3A_5 : vector<16xf32> to vector<16xf32>
    tpu.vector_store %arg13[%swap3A_85], %swap3A_88 {strides = array<i32>} : memref<640xf32, #tpu.memory_space<vmem>>, vector<16xf32>,
    %swap3A_89 = arith.constant 208 : index
    %swap3A_90 = tpu.vector_load %arg13[%swap3A_89] {strides = array<i32>} : memref<640xf32, #tpu.memory_space<vmem>>, vector<16xf32>,
    %swap3A_91 = vector.shape_cast %swap3A_90 : vector<16xf32> to vector<16xf32>
    %swap3A_92 = vector.shape_cast %broadcast_in_dim3A_5 : vector<16xf32> to vector<16xf32>
    tpu.vector_store %arg13[%swap3A_89], %swap3A_92 {strides = array<i32>} : memref<640xf32, #tpu.memory_space<vmem>>, vector<16xf32>,
    %swap3A_93 = arith.constant 224 : index
    %swap3A_94 = tpu.vector_load %arg13[%swap3A_93] {strides = array<i32>} : memref<640xf32, #tpu.memory_space<vmem>>, vector<16xf32>,
    %swap3A_95 = vector.shape_cast %swap3A_94 : vector<16xf32> to vector<16xf32>
    %swap3A_96 = vector.shape_cast %broadcast_in_dim3A_5 : vector<16xf32> to vector<16xf32>
    tpu.vector_store %arg13[%swap3A_93], %swap3A_96 {strides = array<i32>} : memref<640xf32, #tpu.memory_space<vmem>>, vector<16xf32>,
    %swap3A_97 = arith.constant 240 : index
    %swap3A_98 = tpu.vector_load %arg13[%swap3A_97] {strides = array<i32>} : memref<640xf32, #tpu.memory_space<vmem>>, vector<16xf32>,
    %swap3A_99 = vector.shape_cast %swap3A_98 : vector<16xf32> to vector<16xf32>
    %swap3A_100 = vector.shape_cast %broadcast_in_dim3A_5 : vector<16xf32> to vector<16xf32>
    tpu.vector_store %arg13[%swap3A_97], %swap3A_100 {strides = array<i32>} : memref<640xf32, #tpu.memory_space<vmem>>, vector<16xf32>,
    %swap3A_101 = arith.constant 256 : index
    %swap3A_102 = tpu.vector_load %arg13[%swap3A_101] {strides = array<i32>} : memref<640xf32, #tpu.memory_space<vmem>>, vector<16xf32>,
    %swap3A_103 = vector.shape_cast %swap3A_102 : vector<16xf32> to vector<16xf32>
    %swap3A_104 = vector.shape_cast %broadcast_in_dim3A_5 : vector<16xf32> to vector<16xf32>
    tpu.vector_store %arg13[%swap3A_101], %swap3A_104 {strides = array<i32>} : memref<640xf32, #tpu.memory_space<vmem>>, vector<16xf32>,
    %swap3A_105 = arith.constant 272 : index
    %swap3A_106 = tpu.vector_load %arg13[%swap3A_105] {strides = array<i32>} : memref<640xf32, #tpu.memory_space<vmem>>, vector<16xf32>,
    %swap3A_107 = vector.shape_cast %swap3A_106 : vector<16xf32> to vector<16xf32>
    %swap3A_108 = vector.shape_cast %broadcast_in_dim3A_5 : vector<16xf32> to vector<16xf32>
    tpu.vector_store %arg13[%swap3A_105], %swap3A_108 {strides = array<i32>} : memref<640xf32, #tpu.memory_space<vmem>>, vector<16xf32>,
    %swap3A_109 = arith.constant 288 : index
    %swap3A_110 = tpu.vector_load %arg13[%swap3A_109] {strides = array<i32>} : memref<640xf32, #tpu.memory_space<vmem>>, vector<16xf32>,
    %swap3A_111 = vector.shape_cast %swap3A_110 : vector<16xf32> to vector<16xf32>
    %swap3A_112 = vector.shape_cast %broadcast_in_dim3A_5 : vector<16xf32> to vector<16xf32>
    tpu.vector_store %arg13[%swap3A_109], %swap3A_112 {strides = array<i32>} : memref<640xf32, #tpu.memory_space<vmem>>, vector<16xf32>,
    %swap3A_113 = arith.constant 304 : index
    %swap3A_114 = tpu.vector_load %arg13[%swap3A_113] {strides = array<i32>} : memref<640xf32, #tpu.memory_space<vmem>>, vector<16xf32>,
    %swap3A_115 = vector.shape_cast %swap3A_114 : vector<16xf32> to vector<16xf32>
    %swap3A_116 = vector.shape_cast %broadcast_in_dim3A_5 : vector<16xf32> to vector<16xf32>
    tpu.vector_store %arg13[%swap3A_113], %swap3A_116 {strides = array<i32>} : memref<640xf32, #tpu.memory_space<vmem>>, vector<16xf32>,
    %swap3A_117 = arith.constant 320 : index
    %swap3A_118 = tpu.vector_load %arg13[%swap3A_117] {strides = array<i32>} : memref<640xf32, #tpu.memory_space<vmem>>, vector<16xf32>,
    %swap3A_119 = vector.shape_cast %swap3A_118 : vector<16xf32> to vector<16xf32>
    %swap3A_120 = vector.shape_cast %broadcast_in_dim3A_5 : vector<16xf32> to vector<16xf32>
    tpu.vector_store %arg13[%swap3A_117], %swap3A_120 {strides = array<i32>} : memref<640xf32, #tpu.memory_space<vmem>>, vector<16xf32>,
    %swap3A_121 = arith.constant 336 : index
    %swap3A_122 = tpu.vector_load %arg13[%swap3A_121] {strides = array<i32>} : memref<640xf32, #tpu.memory_space<vmem>>, vector<16xf32>,
    %swap3A_123 = vector.shape_cast %swap3A_122 : vector<16xf32> to vector<16xf32>
    %swap3A_124 = vector.shape_cast %broadcast_in_dim3A_5 : vector<16xf32> to vector<16xf32>
    tpu.vector_store %arg13[%swap3A_121], %swap3A_124 {strides = array<i32>} : memref<640xf32, #tpu.memory_space<vmem>>, vector<16xf32>,
    %swap3A_125 = arith.constant 352 : index
    %swap3A_126 = tpu.vector_load %arg13[%swap3A_125] {strides = array<i32>} : memref<640xf32, #tpu.memory_space<vmem>>, vector<16xf32>,
    %swap3A_127 = vector.shape_cast %swap3A_126 : vector<16xf32> to vector<16xf32>
    %swap3A_128 = vector.shape_cast %broadcast_in_dim3A_5 : vector<16xf32> to vector<16xf32>
    tpu.vector_store %arg13[%swap3A_125], %swap3A_128 {strides = array<i32>} : memref<640xf32, #tpu.memory_space<vmem>>, vector<16xf32>,
    %swap3A_129 = arith.constant 368 : index
    %swap3A_130 = tpu.vector_load %arg13[%swap3A_129] {strides = array<i32>} : memref<640xf32, #tpu.memory_space<vmem>>, vector<16xf32>,
    %swap3A_131 = vector.shape_cast %swap3A_130 : vector<16xf32> to vector<16xf32>
    %swap3A_132 = vector.shape_cast %broadcast_in_dim3A_5 : vector<16xf32> to vector<16xf32>
    tpu.vector_store %arg13[%swap3A_129], %swap3A_132 {strides = array<i32>} : memref<640xf32, #tpu.memory_space<vmem>>, vector<16xf32>,
    %swap3A_133 = arith.constant 384 : index
    %swap3A_134 = tpu.vector_load %arg13[%swap3A_133] {strides = array<i32>} : memref<640xf32, #tpu.memory_space<vmem>>, vector<16xf32>,
    %swap3A_135 = vector.shape_cast %swap3A_134 : vector<16xf32> to vector<16xf32>
    %swap3A_136 = vector.shape_cast %broadcast_in_dim3A_5 : vector<16xf32> to vector<16xf32>
    tpu.vector_store %arg13[%swap3A_133], %swap3A_136 {strides = array<i32>} : memref<640xf32, #tpu.memory_space<vmem>>, vector<16xf32>,
    %swap3A_137 = arith.constant 400 : index
    %swap3A_138 = tpu.vector_load %arg13[%swap3A_137] {strides = array<i32>} : memref<640xf32, #tpu.memory_space<vmem>>, vector<16xf32>,
    %swap3A_139 = vector.shape_cast %swap3A_138 : vector<16xf32> to vector<16xf32>
    %swap3A_140 = vector.shape_cast %broadcast_in_dim3A_5 : vector<16xf32> to vector<16xf32>
    tpu.vector_store %arg13[%swap3A_137], %swap3A_140 {strides = array<i32>} : memref<640xf32, #tpu.memory_space<vmem>>, vector<16xf32>,
    %swap3A_141 = arith.constant 416 : index
    %swap3A_142 = tpu.vector_load %arg13[%swap3A_141] {strides = array<i32>} : memref<640xf32, #tpu.memory_space<vmem>>, vector<16xf32>,
    %swap3A_143 = vector.shape_cast %swap3A_142 : vector<16xf32> to vector<16xf32>
    %swap3A_144 = vector.shape_cast %broadcast_in_dim3A_5 : vector<16xf32> to vector<16xf32>
    tpu.vector_store %arg13[%swap3A_141], %swap3A_144 {strides = array<i32>} : memref<640xf32, #tpu.memory_space<vmem>>, vector<16xf32>,
    %swap3A_145 = arith.constant 432 : index
    %swap3A_146 = tpu.vector_load %arg13[%swap3A_145] {strides = array<i32>} : memref<640xf32, #tpu.memory_space<vmem>>, vector<16xf32>,
    %swap3A_147 = vector.shape_cast %swap3A_146 : vector<16xf32> to vector<16xf32>
    %swap3A_148 = vector.shape_cast %broadcast_in_dim3A_5 : vector<16xf32> to vector<16xf32>
    tpu.vector_store %arg13[%swap3A_145], %swap3A_148 {strides = array<i32>} : memref<640xf32, #tpu.memory_space<vmem>>, vector<16xf32>,
    %swap3A_149 = arith.constant 448 : index
    %swap3A_150 = tpu.vector_load %arg13[%swap3A_149] {strides = array<i32>} : memref<640xf32, #tpu.memory_space<vmem>>, vector<16xf32>,
    %swap3A_151 = vector.shape_cast %swap3A_150 : vector<16xf32> to vector<16xf32>
    %swap3A_152 = vector.shape_cast %broadcast_in_dim3A_5 : vector<16xf32> to vector<16xf32>
    tpu.vector_store %arg13[%swap3A_149], %swap3A_152 {strides = array<i32>} : memref<640xf32, #tpu.memory_space<vmem>>, vector<16xf32>,
    %swap3A_153 = arith.constant 464 : index
    %swap3A_154 = tpu.vector_load %arg13[%swap3A_153] {strides = array<i32>} : memref<640xf32, #tpu.memory_space<vmem>>, vector<16xf32>,
    %swap3A_155 = vector.shape_cast %swap3A_154 : vector<16xf32> to vector<16xf32>
    %swap3A_156 = vector.shape_cast %broadcast_in_dim3A_5 : vector<16xf32> to vector<16xf32>
    tpu.vector_store %arg13[%swap3A_153], %swap3A_156 {strides = array<i32>} : memref<640xf32, #tpu.memory_space<vmem>>, vector<16xf32>,
    %swap3A_157 = arith.constant 480 : index
    %swap3A_158 = tpu.vector_load %arg13[%swap3A_157] {strides = array<i32>} : memref<640xf32, #tpu.memory_space<vmem>>, vector<16xf32>,
    %swap3A_159 = vector.shape_cast %swap3A_158 : vector<16xf32> to vector<16xf32>
    %swap3A_160 = vector.shape_cast %broadcast_in_dim3A_5 : vector<16xf32> to vector<16xf32>
    tpu.vector_store %arg13[%swap3A_157], %swap3A_160 {strides = array<i32>} : memref<640xf32, #tpu.memory_space<vmem>>, vector<16xf32>,
    %swap3A_161 = arith.constant 496 : index
    %swap3A_162 = tpu.vector_load %arg13[%swap3A_161] {strides = array<i32>} : memref<640xf32, #tpu.memory_space<vmem>>, vector<16xf32>,
    %swap3A_163 = vector.shape_cast %swap3A_162 : vector<16xf32> to vector<16xf32>
    %swap3A_164 = vector.shape_cast %broadcast_in_dim3A_5 : vector<16xf32> to vector<16xf32>
    tpu.vector_store %arg13[%swap3A_161], %swap3A_164 {strides = array<i32>} : memref<640xf32, #tpu.memory_space<vmem>>, vector<16xf32>,
    %swap3A_165 = arith.constant 512 : index
    %swap3A_166 = tpu.vector_load %arg13[%swap3A_165] {strides = array<i32>} : memref<640xf32, #tpu.memory_space<vmem>>, vector<16xf32>,
    %swap3A_167 = vector.shape_cast %swap3A_166 : vector<16xf32> to vector<16xf32>
    %swap3A_168 = vector.shape_cast %broadcast_in_dim3A_5 : vector<16xf32> to vector<16xf32>
    tpu.vector_store %arg13[%swap3A_165], %swap3A_168 {strides = array<i32>} : memref<640xf32, #tpu.memory_space<vmem>>, vector<16xf32>,
    %swap3A_169 = arith.constant 528 : index
    %swap3A_170 = tpu.vector_load %arg13[%swap3A_169] {strides = array<i32>} : memref<640xf32, #tpu.memory_space<vmem>>, vector<16xf32>,
    %swap3A_171 = vector.shape_cast %swap3A_170 : vector<16xf32> to vector<16xf32>
    %swap3A_172 = vector.shape_cast %broadcast_in_dim3A_5 : vector<16xf32> to vector<16xf32>
    tpu.vector_store %arg13[%swap3A_169], %swap3A_172 {strides = array<i32>} : memref<640xf32, #tpu.memory_space<vmem>>, vector<16xf32>,
    %swap3A_173 = arith.constant 544 : index
    %swap3A_174 = tpu.vector_load %arg13[%swap3A_173] {strides = array<i32>} : memref<640xf32, #tpu.memory_space<vmem>>, vector<16xf32>,
    %swap3A_175 = vector.shape_cast %swap3A_174 : vector<16xf32> to vector<16xf32>
    %swap3A_176 = vector.shape_cast %broadcast_in_dim3A_5 : vector<16xf32> to vector<16xf32>
    tpu.vector_store %arg13[%swap3A_173], %swap3A_176 {strides = array<i32>} : memref<640xf32, #tpu.memory_space<vmem>>, vector<16xf32>,
    %swap3A_177 = arith.constant 560 : index
    %swap3A_178 = tpu.vector_load %arg13[%swap3A_177] {strides = array<i32>} : memref<640xf32, #tpu.memory_space<vmem>>, vector<16xf32>,
    %swap3A_179 = vector.shape_cast %swap3A_178 : vector<16xf32> to vector<16xf32>
    %swap3A_180 = vector.shape_cast %broadcast_in_dim3A_5 : vector<16xf32> to vector<16xf32>
    tpu.vector_store %arg13[%swap3A_177], %swap3A_180 {strides = array<i32>} : memref<640xf32, #tpu.memory_space<vmem>>, vector<16xf32>,
    %swap3A_181 = arith.constant 576 : index
    %swap3A_182 = tpu.vector_load %arg13[%swap3A_181] {strides = array<i32>} : memref<640xf32, #tpu.memory_space<vmem>>, vector<16xf32>,
    %swap3A_183 = vector.shape_cast %swap3A_182 : vector<16xf32> to vector<16xf32>
    %swap3A_184 = vector.shape_cast %broadcast_in_dim3A_5 : vector<16xf32> to vector<16xf32>
    tpu.vector_store %arg13[%swap3A_181], %swap3A_184 {strides = array<i32>} : memref<640xf32, #tpu.memory_space<vmem>>, vector<16xf32>,
    %swap3A_185 = arith.constant 592 : index
    %swap3A_186 = tpu.vector_load %arg13[%swap3A_185] {strides = array<i32>} : memref<640xf32, #tpu.memory_space<vmem>>, vector<16xf32>,
    %swap3A_187 = vector.shape_cast %swap3A_186 : vector<16xf32> to vector<16xf32>
    %swap3A_188 = vector.shape_cast %broadcast_in_dim3A_5 : vector<16xf32> to vector<16xf32>
    tpu.vector_store %arg13[%swap3A_185], %swap3A_188 {strides = array<i32>} : memref<640xf32, #tpu.memory_space<vmem>>, vector<16xf32>,
    %swap3A_189 = arith.constant 608 : index
    %swap3A_190 = tpu.vector_load %arg13[%swap3A_189] {strides = array<i32>} : memref<640xf32, #tpu.memory_space<vmem>>, vector<16xf32>,
    %swap3A_191 = vector.shape_cast %swap3A_190 : vector<16xf32> to vector<16xf32>
    %swap3A_192 = vector.shape_cast %broadcast_in_dim3A_5 : vector<16xf32> to vector<16xf32>
    tpu.vector_store %arg13[%swap3A_189], %swap3A_192 {strides = array<i32>} : memref<640xf32, #tpu.memory_space<vmem>>, vector<16xf32>,
    %swap3A_193 = arith.constant 624 : index
    %swap3A_194 = tpu.vector_load %arg13[%swap3A_193] {strides = array<i32>} : memref<640xf32, #tpu.memory_space<vmem>>, vector<16xf32>,
    %swap3A_195 = vector.shape_cast %swap3A_194 : vector<16xf32> to vector<16xf32>
    %swap3A_196 = vector.shape_cast %broadcast_in_dim3A_5 : vector<16xf32> to vector<16xf32>
    tpu.vector_store %arg13[%swap3A_193], %swap3A_196 {strides = array<i32>} : memref<640xf32, #tpu.memory_space<vmem>>, vector<16xf32>,
    %scan3A = arith.constant 0 : i32
    %scan3A_197 = arith.constant 16 : i32
    %scan3A_198 = arith.addi %scan3A, %scan3A_197 : i32
    %scan3A_199 = arith.constant 1 : i32
    scf.for %scan3A_254 = %scan3A to %scan3A_198 step %scan3A_199  : i32 {
      %swap3A_255 = arith.index_cast %scan3A_254 : i32 to index
      %swap3A_256 = arith.constant 0 : index
      %swap3A_257 = tpu.vector_load %arg11[%swap3A_255, %swap3A_256] {strides = array<i32>} : memref<16x128xf32, #tpu.memory_space<vmem>>, vector<1x16xf32>,
      %swap3A_258 = vector.shape_cast %swap3A_257 : vector<1x16xf32> to vector<16xf32>
      %swap3A_259 = vector.shape_cast %broadcast_in_dim3A_5 : vector<16xf32> to vector<1x16xf32>
      tpu.vector_store %arg11[%swap3A_255, %swap3A_256], %swap3A_259 {strides = array<i32>} : memref<16x128xf32, #tpu.memory_space<vmem>>, vector<1x16xf32>,
      %swap3A_260 = arith.index_cast %scan3A_254 : i32 to index
      %swap3A_261 = arith.constant 16 : index
      %swap3A_262 = tpu.vector_load %arg11[%swap3A_260, %swap3A_261] {strides = array<i32>} : memref<16x128xf32, #tpu.memory_space<vmem>>, vector<1x16xf32>,
      %swap3A_263 = vector.shape_cast %swap3A_262 : vector<1x16xf32> to vector<16xf32>
      %swap3A_264 = vector.shape_cast %broadcast_in_dim3A_5 : vector<16xf32> to vector<1x16xf32>
      tpu.vector_store %arg11[%swap3A_260, %swap3A_261], %swap3A_264 {strides = array<i32>} : memref<16x128xf32, #tpu.memory_space<vmem>>, vector<1x16xf32>,
      %swap3A_265 = arith.index_cast %scan3A_254 : i32 to index
      %swap3A_266 = arith.constant 32 : index
      %swap3A_267 = tpu.vector_load %arg11[%swap3A_265, %swap3A_266] {strides = array<i32>} : memref<16x128xf32, #tpu.memory_space<vmem>>, vector<1x16xf32>,
      %swap3A_268 = vector.shape_cast %swap3A_267 : vector<1x16xf32> to vector<16xf32>
      %swap3A_269 = vector.shape_cast %broadcast_in_dim3A_5 : vector<16xf32> to vector<1x16xf32>
      tpu.vector_store %arg11[%swap3A_265, %swap3A_266], %swap3A_269 {strides = array<i32>} : memref<16x128xf32, #tpu.memory_space<vmem>>, vector<1x16xf32>,
      %swap3A_270 = arith.index_cast %scan3A_254 : i32 to index
      %swap3A_271 = arith.constant 48 : index
      %swap3A_272 = tpu.vector_load %arg11[%swap3A_270, %swap3A_271] {strides = array<i32>} : memref<16x128xf32, #tpu.memory_space<vmem>>, vector<1x16xf32>,
      %swap3A_273 = vector.shape_cast %swap3A_272 : vector<1x16xf32> to vector<16xf32>
      %swap3A_274 = vector.shape_cast %broadcast_in_dim3A_5 : vector<16xf32> to vector<1x16xf32>
      tpu.vector_store %arg11[%swap3A_270, %swap3A_271], %swap3A_274 {strides = array<i32>} : memref<16x128xf32, #tpu.memory_space<vmem>>, vector<1x16xf32>,
      %swap3A_275 = arith.index_cast %scan3A_254 : i32 to index
      %swap3A_276 = arith.constant 64 : index
      %swap3A_277 = tpu.vector_load %arg11[%swap3A_275, %swap3A_276] {strides = array<i32>} : memref<16x128xf32, #tpu.memory_space<vmem>>, vector<1x16xf32>,
      %swap3A_278 = vector.shape_cast %swap3A_277 : vector<1x16xf32> to vector<16xf32>
      %swap3A_279 = vector.shape_cast %broadcast_in_dim3A_5 : vector<16xf32> to vector<1x16xf32>
      tpu.vector_store %arg11[%swap3A_275, %swap3A_276], %swap3A_279 {strides = array<i32>} : memref<16x128xf32, #tpu.memory_space<vmem>>, vector<1x16xf32>,
      %swap3A_280 = arith.index_cast %scan3A_254 : i32 to index
      %swap3A_281 = arith.constant 80 : index
      %swap3A_282 = tpu.vector_load %arg11[%swap3A_280, %swap3A_281] {strides = array<i32>} : memref<16x128xf32, #tpu.memory_space<vmem>>, vector<1x16xf32>,
      %swap3A_283 = vector.shape_cast %swap3A_282 : vector<1x16xf32> to vector<16xf32>
      %swap3A_284 = vector.shape_cast %broadcast_in_dim3A_5 : vector<16xf32> to vector<1x16xf32>
      tpu.vector_store %arg11[%swap3A_280, %swap3A_281], %swap3A_284 {strides = array<i32>} : memref<16x128xf32, #tpu.memory_space<vmem>>, vector<1x16xf32>,
      %swap3A_285 = arith.index_cast %scan3A_254 : i32 to index
      %swap3A_286 = arith.constant 96 : index
      %swap3A_287 = tpu.vector_load %arg11[%swap3A_285, %swap3A_286] {strides = array<i32>} : memref<16x128xf32, #tpu.memory_space<vmem>>, vector<1x16xf32>,
      %swap3A_288 = vector.shape_cast %swap3A_287 : vector<1x16xf32> to vector<16xf32>
      %swap3A_289 = vector.shape_cast %broadcast_in_dim3A_5 : vector<16xf32> to vector<1x16xf32>
      tpu.vector_store %arg11[%swap3A_285, %swap3A_286], %swap3A_289 {strides = array<i32>} : memref<16x128xf32, #tpu.memory_space<vmem>>, vector<1x16xf32>,
      %swap3A_290 = arith.index_cast %scan3A_254 : i32 to index
      %swap3A_291 = arith.constant 112 : index
      %swap3A_292 = tpu.vector_load %arg11[%swap3A_290, %swap3A_291] {strides = array<i32>} : memref<16x128xf32, #tpu.memory_space<vmem>>, vector<1x16xf32>,
      %swap3A_293 = vector.shape_cast %swap3A_292 : vector<1x16xf32> to vector<16xf32>
      %swap3A_294 = vector.shape_cast %broadcast_in_dim3A_5 : vector<16xf32> to vector<1x16xf32>
      tpu.vector_store %arg11[%swap3A_290, %swap3A_291], %swap3A_294 {strides = array<i32>} : memref<16x128xf32, #tpu.memory_space<vmem>>, vector<1x16xf32>,
    }
    %scan3A_200 = arith.constant 16 : i32
    %scan3A_201 = arith.constant 0 : i32
    %scan3A_202 = arith.constant 40 : i32
    %scan3A_203 = arith.addi %scan3A_201, %scan3A_202 : i32
    %scan3A_204 = arith.constant 1 : i32
    scf.for %scan3A_254 = %scan3A_201 to %scan3A_203 step %scan3A_204  : i32 {
      %mul3A_255 = arith.constant 640 : i32
      %mul3A_256 = arith.muli %arg1, %mul3A_255 : i32
      %mul3A_257 = arith.constant 16 : i32
      %mul3A_258 = arith.muli %scan3A_254, %mul3A_257 : i32
      %add3A_259 = arith.addi %mul3A_256, %mul3A_258 : i32
      "tpu.region"() ({
        %run_scoped3A_260 = tpu.sem_alloc : memref<!tpu.dma_semaphore, #tpu.memory_space<semaphore_mem>>
        %dma_start3A_261 = arith.constant 0 : i32
        %dma_start3A_262 = tpu.memref_slice %arg14[%add3A_259, %dma_start3A_261] : memref<10240x128xf32, #tpu.memory_space<vmem_shared>> -> memref<16x128xf32, #tpu.memory_space<vmem_shared>>
        %dma_start3A_263 = arith.constant 0 : i32
        %dma_start3A_264 = tpu.memref_slice %arg14[%add3A_259, %dma_start3A_263] : memref<10240x128xf32, #tpu.memory_space<vmem_shared>> -> memref<16x128xf32, #tpu.memory_space<vmem_shared>>
        tpu.enqueue_dma source(%arg11 : memref<16x128xf32, #tpu.memory_space<vmem>>) target(%dma_start3A_264 : memref<16x128xf32, #tpu.memory_space<vmem_shared>>) target_semaphore(%run_scoped3A_260 : memref<!tpu.dma_semaphore, #tpu.memory_space<semaphore_mem>>)
        %dma_wait3A_265 = arith.constant 0 : i32
        %dma_wait3A_266 = tpu.memref_slice %arg14[%add3A_259, %dma_wait3A_265] : memref<10240x128xf32, #tpu.memory_space<vmem_shared>> -> memref<16x128xf32, #tpu.memory_space<vmem_shared>>
        %dma_wait3A_267 = arith.constant 0 : i32
        %dma_wait3A_268 = tpu.memref_slice %arg14[%add3A_259, %dma_wait3A_267] : memref<10240x128xf32, #tpu.memory_space<vmem_shared>> -> memref<16x128xf32, #tpu.memory_space<vmem_shared>>
        tpu.wait_dma2 semaphore(%run_scoped3A_260 : memref<!tpu.dma_semaphore, #tpu.memory_space<semaphore_mem>>) src(%arg11 : memref<16x128xf32, #tpu.memory_space<vmem>>) dst(%dma_wait3A_268 : memref<16x128xf32, #tpu.memory_space<vmem_shared>>)
        tpu.yield
      }) : () -> ()
    }
    %scan3A_205 = arith.constant 40 : i32
    %mul3A_206 = arith.constant 640 : i32
    %mul3A_207 = arith.muli %arg1, %mul3A_206 : i32
    "tpu.region"() ({
      %run_scoped3A_254 = tpu.sem_alloc : memref<!tpu.dma_semaphore, #tpu.memory_space<semaphore_mem>>
      %dma_start3A_255 = tpu.memref_slice %arg15[%mul3A_207] : memref<10240xf32, #tpu.memory_space<vmem_shared>> -> memref<640xf32, #tpu.memory_space<vmem_shared>>
      %dma_start3A_256 = tpu.memref_slice %arg15[%mul3A_207] : memref<10240xf32, #tpu.memory_space<vmem_shared>> -> memref<640xf32, #tpu.memory_space<vmem_shared>>
      tpu.enqueue_dma source(%arg13 : memref<640xf32, #tpu.memory_space<vmem>>) target(%dma_start3A_256 : memref<640xf32, #tpu.memory_space<vmem_shared>>) target_semaphore(%run_scoped3A_254 : memref<!tpu.dma_semaphore, #tpu.memory_space<semaphore_mem>>)
      %dma_wait3A_257 = tpu.memref_slice %arg15[%mul3A_207] : memref<10240xf32, #tpu.memory_space<vmem_shared>> -> memref<640xf32, #tpu.memory_space<vmem_shared>>
      %dma_wait3A_258 = tpu.memref_slice %arg15[%mul3A_207] : memref<10240xf32, #tpu.memory_space<vmem_shared>> -> memref<640xf32, #tpu.memory_space<vmem_shared>>
      tpu.wait_dma2 semaphore(%run_scoped3A_254 : memref<!tpu.dma_semaphore, #tpu.memory_space<semaphore_mem>>) src(%arg13 : memref<640xf32, #tpu.memory_space<vmem>>) dst(%dma_wait3A_258 : memref<640xf32, #tpu.memory_space<vmem_shared>>)
      tpu.yield
    }) : () -> ()
    %barrier3A = arith.constant 0 : index
    tpu.barrier barrier_id(%barrier3A)
    %run_scoped3A = arith.constant 0 : i32
    "tpu.region"() ({
      %run_scoped3A_254 = tpu.sem_alloc : memref<!tpu.dma_semaphore, #tpu.memory_space<semaphore_mem>>
      %dma_start3A_255 = tpu.memref_slice %arg3[%run_scoped3A, %mul3A_2] : memref<2x327680xi32, #tpu.memory_space<hbm>> -> memref<1x10240xi32, #tpu.memory_space<hbm>>
      %dma_start3A_256 = tpu.memref_squeeze %dma_start3A_255 : memref<1x10240xi32, #tpu.memory_space<hbm>> -> memref<10240xi32, #tpu.memory_space<hbm>>
      %dma_start3A_257 = tpu.memref_slice %arg3[%run_scoped3A, %mul3A_2] : memref<2x327680xi32, #tpu.memory_space<hbm>> -> memref<1x10240xi32, #tpu.memory_space<hbm>>
      %dma_start3A_258 = tpu.memref_squeeze %dma_start3A_257 : memref<1x10240xi32, #tpu.memory_space<hbm>> -> memref<10240xi32, #tpu.memory_space<hbm>>
      tpu.enqueue_dma source(%dma_start3A_258 : memref<10240xi32, #tpu.memory_space<hbm>>) target(%arg6 : memref<10240xi32, #tpu.memory_space<vmem>>) target_semaphore(%run_scoped3A_254 : memref<!tpu.dma_semaphore, #tpu.memory_space<semaphore_mem>>)
      %dma_wait3A_259 = tpu.memref_slice %arg3[%run_scoped3A, %mul3A_2] : memref<2x327680xi32, #tpu.memory_space<hbm>> -> memref<1x10240xi32, #tpu.memory_space<hbm>>
      %dma_wait3A_260 = tpu.memref_squeeze %dma_wait3A_259 : memref<1x10240xi32, #tpu.memory_space<hbm>> -> memref<10240xi32, #tpu.memory_space<hbm>>
      %dma_wait3A_261 = tpu.memref_slice %arg3[%run_scoped3A, %mul3A_2] : memref<2x327680xi32, #tpu.memory_space<hbm>> -> memref<1x10240xi32, #tpu.memory_space<hbm>>
      %dma_wait3A_262 = tpu.memref_squeeze %dma_wait3A_261 : memref<1x10240xi32, #tpu.memory_space<hbm>> -> memref<10240xi32, #tpu.memory_space<hbm>>
      tpu.wait_dma2 semaphore(%run_scoped3A_254 : memref<!tpu.dma_semaphore, #tpu.memory_space<semaphore_mem>>) src(%dma_wait3A_262 : memref<10240xi32, #tpu.memory_space<hbm>>) dst(%arg6 : memref<10240xi32, #tpu.memory_space<vmem>>)
      tpu.yield
    }) : () -> ()
    %add3A_208 = arith.constant 0 : i32
    %add3A_209 = arith.addi %mul3A_2, %add3A_208 : i32
    %dma_start3A = arith.constant 1 : i32
    %dma_start3A_210 = tpu.memref_slice %arg3[%dma_start3A, %add3A_209] : memref<2x327680xi32, #tpu.memory_space<hbm>> -> memref<1x128xi32, #tpu.memory_space<hbm>>
    %dma_start3A_211 = tpu.memref_squeeze %dma_start3A_210 : memref<1x128xi32, #tpu.memory_space<hbm>> -> memref<128xi32, #tpu.memory_space<hbm>>
    %dma_start3A_212 = tpu.memref_slice %arg3[%dma_start3A, %add3A_209] : memref<2x327680xi32, #tpu.memory_space<hbm>> -> memref<1x128xi32, #tpu.memory_space<hbm>>
    %dma_start3A_213 = tpu.memref_squeeze %dma_start3A_212 : memref<1x128xi32, #tpu.memory_space<hbm>> -> memref<128xi32, #tpu.memory_space<hbm>>
    tpu.enqueue_dma source(%dma_start3A_213 : memref<128xi32, #tpu.memory_space<hbm>>) target(%arg7 : memref<128xi32, #tpu.memory_space<vmem>>) target_semaphore(%arg20 : memref<!tpu.dma_semaphore, #tpu.memory_space<semaphore_mem>>)
    %dma_start3A_214 = arith.constant 0 : i32
    %dma_start3A_215 = tpu.memref_slice %arg6[%dma_start3A_214] : memref<10240xi32, #tpu.memory_space<vmem>> -> memref<128xi32, #tpu.memory_space<vmem>>
    %dma_start3A_216 = arith.constant 0 : i32
    %dma_start3A_217 = arith.constant 0 : i32
    %dma_start3A_218 = tpu.memref_slice %arg2[%dma_start3A_216, %dma_start3A_217] : memref<10240x128xf32, #tpu.memory_space<hbm>> -> memref<10240x128xf32, #tpu.memory_space<hbm>>
    tpu.enqueue_indirect_dma source(%dma_start3A_218 : memref<10240x128xf32, #tpu.memory_space<hbm>>) target(%arg9 : memref<128x128xf32, #tpu.memory_space<vmem>>) offsets(%dma_start3A_215 : memref<128xi32, #tpu.memory_space<vmem>>) semaphore(%arg16 : memref<!tpu.dma_semaphore, #tpu.memory_space<semaphore_mem>>)
    %add3A_219 = arith.constant 128 : i32
    %add3A_220 = arith.addi %mul3A_2, %add3A_219 : i32
    %dma_start3A_221 = arith.constant 1 : i32
    %dma_start3A_222 = tpu.memref_slice %arg3[%dma_start3A_221, %add3A_220] : memref<2x327680xi32, #tpu.memory_space<hbm>> -> memref<1x128xi32, #tpu.memory_space<hbm>>
    %dma_start3A_223 = tpu.memref_squeeze %dma_start3A_222 : memref<1x128xi32, #tpu.memory_space<hbm>> -> memref<128xi32, #tpu.memory_space<hbm>>
    %dma_start3A_224 = tpu.memref_slice %arg3[%dma_start3A_221, %add3A_220] : memref<2x327680xi32, #tpu.memory_space<hbm>> -> memref<1x128xi32, #tpu.memory_space<hbm>>
    %dma_start3A_225 = tpu.memref_squeeze %dma_start3A_224 : memref<1x128xi32, #tpu.memory_space<hbm>> -> memref<128xi32, #tpu.memory_space<hbm>>
    tpu.enqueue_dma source(%dma_start3A_225 : memref<128xi32, #tpu.memory_space<hbm>>) target(%arg8 : memref<128xi32, #tpu.memory_space<vmem>>) target_semaphore(%arg21 : memref<!tpu.dma_semaphore, #tpu.memory_space<semaphore_mem>>)
    %dma_start3A_226 = arith.constant 128 : i32
    %dma_start3A_227 = tpu.memref_slice %arg6[%dma_start3A_226] : memref<10240xi32, #tpu.memory_space<vmem>> -> memref<128xi32, #tpu.memory_space<vmem>>
    %dma_start3A_228 = arith.constant 0 : i32
    %dma_start3A_229 = arith.constant 0 : i32
    %dma_start3A_230 = tpu.memref_slice %arg2[%dma_start3A_228, %dma_start3A_229] : memref<10240x128xf32, #tpu.memory_space<hbm>> -> memref<10240x128xf32, #tpu.memory_space<hbm>>
    tpu.enqueue_indirect_dma source(%dma_start3A_230 : memref<10240x128xf32, #tpu.memory_space<hbm>>) target(%arg10 : memref<128x128xf32, #tpu.memory_space<vmem>>) offsets(%dma_start3A_227 : memref<128xi32, #tpu.memory_space<vmem>>) semaphore(%arg17 : memref<!tpu.dma_semaphore, #tpu.memory_space<semaphore_mem>>)
    %scan3A_231 = arith.constant 0 : i32
    %scan3A_232 = arith.constant 40 : i32
    %scan3A_233 = arith.addi %scan3A_231, %scan3A_232 : i32
    %scan3A_234 = arith.constant 1 : i32
    scf.for %scan3A_254 = %scan3A_231 to %scan3A_233 step %scan3A_234  : i32 {
      %mul3A_255 = arith.constant 2 : i32
      %mul3A_256 = arith.muli %scan3A_254, %mul3A_255 : i32
      %add3A_257 = arith.constant 0 : i32
      %add3A_258 = arith.addi %mul3A_256, %add3A_257 : i32
      %dma_wait3A_259 = arith.constant 0 : i32
      %dma_wait3A_260 = tpu.memref_slice %arg6[%dma_wait3A_259] : memref<10240xi32, #tpu.memory_space<vmem>> -> memref<128xi32, #tpu.memory_space<vmem>>
      %dma_wait3A_261 = arith.constant 0 : i32
      %dma_wait3A_262 = arith.constant 0 : i32
      %dma_wait3A_263 = tpu.memref_slice %arg2[%dma_wait3A_261, %dma_wait3A_262] : memref<10240x128xf32, #tpu.memory_space<hbm>> -> memref<10240x128xf32, #tpu.memory_space<hbm>>
      tpu.wait_indirect_dma semaphore(%arg16 : memref<!tpu.dma_semaphore, #tpu.memory_space<semaphore_mem>>) src(%dma_wait3A_263 : memref<10240x128xf32, #tpu.memory_space<hbm>>) dst(%arg9 : memref<128x128xf32, #tpu.memory_space<vmem>>)
      %dma_wait3A_264 = arith.constant 1 : i32
      %dma_wait3A_265 = tpu.memref_slice %arg3[%dma_wait3A_264, %mul3A_2] : memref<2x327680xi32, #tpu.memory_space<hbm>> -> memref<1x128xi32, #tpu.memory_space<hbm>>
      %dma_wait3A_266 = tpu.memref_squeeze %dma_wait3A_265 : memref<1x128xi32, #tpu.memory_space<hbm>> -> memref<128xi32, #tpu.memory_space<hbm>>
      %dma_wait3A_267 = tpu.memref_slice %arg3[%dma_wait3A_264, %mul3A_2] : memref<2x327680xi32, #tpu.memory_space<hbm>> -> memref<1x128xi32, #tpu.memory_space<hbm>>
      %dma_wait3A_268 = tpu.memref_squeeze %dma_wait3A_267 : memref<1x128xi32, #tpu.memory_space<hbm>> -> memref<128xi32, #tpu.memory_space<hbm>>
      tpu.wait_dma2 semaphore(%arg20 : memref<!tpu.dma_semaphore, #tpu.memory_space<semaphore_mem>>) src(%dma_wait3A_268 : memref<128xi32, #tpu.memory_space<hbm>>) dst(%arg7 : memref<128xi32, #tpu.memory_space<vmem>>)
      %dma_start3A_269 = arith.constant 0 : i32
      %dma_start3A_270 = arith.constant 0 : i32
      %dma_start3A_271 = tpu.memref_slice %arg14[%dma_start3A_269, %dma_start3A_270] : memref<10240x128xf32, #tpu.memory_space<vmem_shared>> -> memref<10240x128xf32, #tpu.memory_space<vmem_shared>>
      tpu.enqueue_indirect_dma source(%arg9 : memref<128x128xf32, #tpu.memory_space<vmem>>) target(%dma_start3A_271 : memref<10240x128xf32, #tpu.memory_space<vmem_shared>>) offsets(%arg7 : memref<128xi32, #tpu.memory_space<vmem>>) semaphore(%arg18 : memref<!tpu.dma_semaphore, #tpu.memory_space<semaphore_mem>>) {add = true}
      %dma_start3A_272 = arith.constant 0 : i32
      %dma_start3A_273 = tpu.memref_slice %arg15[%dma_start3A_272] : memref<10240xf32, #tpu.memory_space<vmem_shared>> -> memref<10240xf32, #tpu.memory_space<vmem_shared>>
      tpu.enqueue_indirect_dma source(%arg12 : memref<128xf32, #tpu.memory_space<vmem>>) target(%dma_start3A_273 : memref<10240xf32, #tpu.memory_space<vmem_shared>>) offsets(%arg7 : memref<128xi32, #tpu.memory_space<vmem>>) semaphore(%arg22 : memref<!tpu.dma_semaphore, #tpu.memory_space<semaphore_mem>>) {add = true}
      %add3A_274 = arith.constant 2 : i32
      %add3A_275 = arith.addi %add3A_258, %add3A_274 : i32
      %lt3A = arith.constant 80 : i32
      %lt3A_276 = arith.cmpi slt, %add3A_275, %lt3A : i32
      %convert_element_type3A = arith.extui %lt3A_276 : i1 to i32
      %cond3A = arith.constant 0 : i32
      %cond3A_277 = arith.cmpi ne, %convert_element_type3A, %cond3A : i32
      scf.if %cond3A_277 {
        %dma_wait3A_302 = arith.constant 0 : i32
        %dma_wait3A_303 = arith.constant 0 : i32
        %dma_wait3A_304 = tpu.memref_slice %arg14[%dma_wait3A_302, %dma_wait3A_303] : memref<10240x128xf32, #tpu.memory_space<vmem_shared>> -> memref<10240x128xf32, #tpu.memory_space<vmem_shared>>
        tpu.wait_indirect_dma semaphore(%arg18 : memref<!tpu.dma_semaphore, #tpu.memory_space<semaphore_mem>>) src(%arg9 : memref<128x128xf32, #tpu.memory_space<vmem>>) dst(%dma_wait3A_304 : memref<10240x128xf32, #tpu.memory_space<vmem_shared>>)
        %dma_wait3A_305 = arith.constant 0 : i32
        %dma_wait3A_306 = tpu.memref_slice %arg15[%dma_wait3A_305] : memref<10240xf32, #tpu.memory_space<vmem_shared>> -> memref<10240xf32, #tpu.memory_space<vmem_shared>>
        tpu.wait_indirect_dma semaphore(%arg22 : memref<!tpu.dma_semaphore, #tpu.memory_space<semaphore_mem>>) src(%arg12 : memref<128xf32, #tpu.memory_space<vmem>>) dst(%dma_wait3A_306 : memref<10240xf32, #tpu.memory_space<vmem_shared>>)
        %add3A_307 = arith.constant 2 : i32
        %add3A_308 = arith.addi %add3A_258, %add3A_307 : i32
        %mul3A_309 = arith.constant 128 : i32
        %mul3A_310 = arith.muli %add3A_308, %mul3A_309 : i32
        %add3A_311 = arith.addi %mul3A_2, %mul3A_310 : i32
        %dma_start3A_312 = arith.constant 1 : i32
        %dma_start3A_313 = tpu.memref_slice %arg3[%dma_start3A_312, %add3A_311] : memref<2x327680xi32, #tpu.memory_space<hbm>> -> memref<1x128xi32, #tpu.memory_space<hbm>>
        %dma_start3A_314 = tpu.memref_squeeze %dma_start3A_313 : memref<1x128xi32, #tpu.memory_space<hbm>> -> memref<128xi32, #tpu.memory_space<hbm>>
        %dma_start3A_315 = tpu.memref_slice %arg3[%dma_start3A_312, %add3A_311] : memref<2x327680xi32, #tpu.memory_space<hbm>> -> memref<1x128xi32, #tpu.memory_space<hbm>>
        %dma_start3A_316 = tpu.memref_squeeze %dma_start3A_315 : memref<1x128xi32, #tpu.memory_space<hbm>> -> memref<128xi32, #tpu.memory_space<hbm>>
        tpu.enqueue_dma source(%dma_start3A_316 : memref<128xi32, #tpu.memory_space<hbm>>) target(%arg7 : memref<128xi32, #tpu.memory_space<vmem>>) target_semaphore(%arg20 : memref<!tpu.dma_semaphore, #tpu.memory_space<semaphore_mem>>)
        %add3A_317 = arith.constant 2 : i32
        %add3A_318 = arith.addi %add3A_258, %add3A_317 : i32
        %mul3A_319 = arith.constant 128 : i32
        %mul3A_320 = arith.muli %add3A_318, %mul3A_319 : i32
        %dma_start3A_321 = tpu.memref_slice %arg6[%mul3A_320] : memref<10240xi32, #tpu.memory_space<vmem>> -> memref<128xi32, #tpu.memory_space<vmem>>
        %dma_start3A_322 = arith.constant 0 : i32
        %dma_start3A_323 = arith.constant 0 : i32
        %dma_start3A_324 = tpu.memref_slice %arg2[%dma_start3A_322, %dma_start3A_323] : memref<10240x128xf32, #tpu.memory_space<hbm>> -> memref<10240x128xf32, #tpu.memory_space<hbm>>
        tpu.enqueue_indirect_dma source(%dma_start3A_324 : memref<10240x128xf32, #tpu.memory_space<hbm>>) target(%arg9 : memref<128x128xf32, #tpu.memory_space<vmem>>) offsets(%dma_start3A_321 : memref<128xi32, #tpu.memory_space<vmem>>) semaphore(%arg16 : memref<!tpu.dma_semaphore, #tpu.memory_space<semaphore_mem>>)
      } else {
      }
      %add3A_278 = arith.constant 1 : i32
      %add3A_279 = arith.addi %mul3A_256, %add3A_278 : i32
      %dma_wait3A_280 = arith.constant 0 : i32
      %dma_wait3A_281 = tpu.memref_slice %arg6[%dma_wait3A_280] : memref<10240xi32, #tpu.memory_space<vmem>> -> memref<128xi32, #tpu.memory_space<vmem>>
      %dma_wait3A_282 = arith.constant 0 : i32
      %dma_wait3A_283 = arith.constant 0 : i32
      %dma_wait3A_284 = tpu.memref_slice %arg2[%dma_wait3A_282, %dma_wait3A_283] : memref<10240x128xf32, #tpu.memory_space<hbm>> -> memref<10240x128xf32, #tpu.memory_space<hbm>>
      tpu.wait_indirect_dma semaphore(%arg17 : memref<!tpu.dma_semaphore, #tpu.memory_space<semaphore_mem>>) src(%dma_wait3A_284 : memref<10240x128xf32, #tpu.memory_space<hbm>>) dst(%arg10 : memref<128x128xf32, #tpu.memory_space<vmem>>)
      %dma_wait3A_285 = arith.constant 1 : i32
      %dma_wait3A_286 = tpu.memref_slice %arg3[%dma_wait3A_285, %mul3A_2] : memref<2x327680xi32, #tpu.memory_space<hbm>> -> memref<1x128xi32, #tpu.memory_space<hbm>>
      %dma_wait3A_287 = tpu.memref_squeeze %dma_wait3A_286 : memref<1x128xi32, #tpu.memory_space<hbm>> -> memref<128xi32, #tpu.memory_space<hbm>>
      %dma_wait3A_288 = tpu.memref_slice %arg3[%dma_wait3A_285, %mul3A_2] : memref<2x327680xi32, #tpu.memory_space<hbm>> -> memref<1x128xi32, #tpu.memory_space<hbm>>
      %dma_wait3A_289 = tpu.memref_squeeze %dma_wait3A_288 : memref<1x128xi32, #tpu.memory_space<hbm>> -> memref<128xi32, #tpu.memory_space<hbm>>
      tpu.wait_dma2 semaphore(%arg21 : memref<!tpu.dma_semaphore, #tpu.memory_space<semaphore_mem>>) src(%dma_wait3A_289 : memref<128xi32, #tpu.memory_space<hbm>>) dst(%arg8 : memref<128xi32, #tpu.memory_space<vmem>>)
      %dma_start3A_290 = arith.constant 0 : i32
      %dma_start3A_291 = arith.constant 0 : i32
      %dma_start3A_292 = tpu.memref_slice %arg14[%dma_start3A_290, %dma_start3A_291] : memref<10240x128xf32, #tpu.memory_space<vmem_shared>> -> memref<10240x128xf32, #tpu.memory_space<vmem_shared>>
      tpu.enqueue_indirect_dma source(%arg10 : memref<128x128xf32, #tpu.memory_space<vmem>>) target(%dma_start3A_292 : memref<10240x128xf32, #tpu.memory_space<vmem_shared>>) offsets(%arg8 : memref<128xi32, #tpu.memory_space<vmem>>) semaphore(%arg19 : memref<!tpu.dma_semaphore, #tpu.memory_space<semaphore_mem>>) {add = true}
      %dma_start3A_293 = arith.constant 0 : i32
      %dma_start3A_294 = tpu.memref_slice %arg15[%dma_start3A_293] : memref<10240xf32, #tpu.memory_space<vmem_shared>> -> memref<10240xf32, #tpu.memory_space<vmem_shared>>
      tpu.enqueue_indirect_dma source(%arg12 : memref<128xf32, #tpu.memory_space<vmem>>) target(%dma_start3A_294 : memref<10240xf32, #tpu.memory_space<vmem_shared>>) offsets(%arg8 : memref<128xi32, #tpu.memory_space<vmem>>) semaphore(%arg23 : memref<!tpu.dma_semaphore, #tpu.memory_space<semaphore_mem>>) {add = true}
      %add3A_295 = arith.constant 2 : i32
      %add3A_296 = arith.addi %add3A_279, %add3A_295 : i32
      %lt3A_297 = arith.constant 80 : i32
      %lt3A_298 = arith.cmpi slt, %add3A_296, %lt3A_297 : i32
      %convert_element_type3A_299 = arith.extui %lt3A_298 : i1 to i32
      %cond3A_300 = arith.constant 0 : i32
      %cond3A_301 = arith.cmpi ne, %convert_element_type3A_299, %cond3A_300 : i32
      scf.if %cond3A_301 {
        %dma_wait3A_302 = arith.constant 0 : i32
        %dma_wait3A_303 = arith.constant 0 : i32
        %dma_wait3A_304 = tpu.memref_slice %arg14[%dma_wait3A_302, %dma_wait3A_303] : memref<10240x128xf32, #tpu.memory_space<vmem_shared>> -> memref<10240x128xf32, #tpu.memory_space<vmem_shared>>
        tpu.wait_indirect_dma semaphore(%arg19 : memref<!tpu.dma_semaphore, #tpu.memory_space<semaphore_mem>>) src(%arg10 : memref<128x128xf32, #tpu.memory_space<vmem>>) dst(%dma_wait3A_304 : memref<10240x128xf32, #tpu.memory_space<vmem_shared>>)
        %dma_wait3A_305 = arith.constant 0 : i32
        %dma_wait3A_306 = tpu.memref_slice %arg15[%dma_wait3A_305] : memref<10240xf32, #tpu.memory_space<vmem_shared>> -> memref<10240xf32, #tpu.memory_space<vmem_shared>>
        tpu.wait_indirect_dma semaphore(%arg23 : memref<!tpu.dma_semaphore, #tpu.memory_space<semaphore_mem>>) src(%arg12 : memref<128xf32, #tpu.memory_space<vmem>>) dst(%dma_wait3A_306 : memref<10240xf32, #tpu.memory_space<vmem_shared>>)
        %add3A_307 = arith.constant 2 : i32
        %add3A_308 = arith.addi %add3A_279, %add3A_307 : i32
        %mul3A_309 = arith.constant 128 : i32
        %mul3A_310 = arith.muli %add3A_308, %mul3A_309 : i32
        %add3A_311 = arith.addi %mul3A_2, %mul3A_310 : i32
        %dma_start3A_312 = arith.constant 1 : i32
        %dma_start3A_313 = tpu.memref_slice %arg3[%dma_start3A_312, %add3A_311] : memref<2x327680xi32, #tpu.memory_space<hbm>> -> memref<1x128xi32, #tpu.memory_space<hbm>>
        %dma_start3A_314 = tpu.memref_squeeze %dma_start3A_313 : memref<1x128xi32, #tpu.memory_space<hbm>> -> memref<128xi32, #tpu.memory_space<hbm>>
        %dma_start3A_315 = tpu.memref_slice %arg3[%dma_start3A_312, %add3A_311] : memref<2x327680xi32, #tpu.memory_space<hbm>> -> memref<1x128xi32, #tpu.memory_space<hbm>>
        %dma_start3A_316 = tpu.memref_squeeze %dma_start3A_315 : memref<1x128xi32, #tpu.memory_space<hbm>> -> memref<128xi32, #tpu.memory_space<hbm>>
        tpu.enqueue_dma source(%dma_start3A_316 : memref<128xi32, #tpu.memory_space<hbm>>) target(%arg8 : memref<128xi32, #tpu.memory_space<vmem>>) target_semaphore(%arg21 : memref<!tpu.dma_semaphore, #tpu.memory_space<semaphore_mem>>)
        %add3A_317 = arith.constant 2 : i32
        %add3A_318 = arith.addi %add3A_279, %add3A_317 : i32
        %mul3A_319 = arith.constant 128 : i32
        %mul3A_320 = arith.muli %add3A_318, %mul3A_319 : i32
        %dma_start3A_321 = tpu.memref_slice %arg6[%mul3A_320] : memref<10240xi32, #tpu.memory_space<vmem>> -> memref<128xi32, #tpu.memory_space<vmem>>
        %dma_start3A_322 = arith.constant 0 : i32
        %dma_start3A_323 = arith.constant 0 : i32
        %dma_start3A_324 = tpu.memref_slice %arg2[%dma_start3A_322, %dma_start3A_323] : memref<10240x128xf32, #tpu.memory_space<hbm>> -> memref<10240x128xf32, #tpu.memory_space<hbm>>
        tpu.enqueue_indirect_dma source(%dma_start3A_324 : memref<10240x128xf32, #tpu.memory_space<hbm>>) target(%arg10 : memref<128x128xf32, #tpu.memory_space<vmem>>) offsets(%dma_start3A_321 : memref<128xi32, #tpu.memory_space<vmem>>) semaphore(%arg17 : memref<!tpu.dma_semaphore, #tpu.memory_space<semaphore_mem>>)
      } else {
      }
    }
    %scan3A_235 = arith.constant 40 : i32
    %dma_wait3A = arith.constant 0 : i32
    %dma_wait3A_236 = arith.constant 0 : i32
    %dma_wait3A_237 = tpu.memref_slice %arg14[%dma_wait3A, %dma_wait3A_236] : memref<10240x128xf32, #tpu.memory_space<vmem_shared>> -> memref<10240x128xf32, #tpu.memory_space<vmem_shared>>
    tpu.wait_indirect_dma semaphore(%arg18 : memref<!tpu.dma_semaphore, #tpu.memory_space<semaphore_mem>>) src(%arg9 : memref<128x128xf32, #tpu.memory_space<vmem>>) dst(%dma_wait3A_237 : memref<10240x128xf32, #tpu.memory_space<vmem_shared>>)
    %dma_wait3A_238 = arith.constant 0 : i32
    %dma_wait3A_239 = tpu.memref_slice %arg15[%dma_wait3A_238] : memref<10240xf32, #tpu.memory_space<vmem_shared>> -> memref<10240xf32, #tpu.memory_space<vmem_shared>>
    tpu.wait_indirect_dma semaphore(%arg22 : memref<!tpu.dma_semaphore, #tpu.memory_space<semaphore_mem>>) src(%arg12 : memref<128xf32, #tpu.memory_space<vmem>>) dst(%dma_wait3A_239 : memref<10240xf32, #tpu.memory_space<vmem_shared>>)
    %dma_wait3A_240 = arith.constant 0 : i32
    %dma_wait3A_241 = arith.constant 0 : i32
    %dma_wait3A_242 = tpu.memref_slice %arg14[%dma_wait3A_240, %dma_wait3A_241] : memref<10240x128xf32, #tpu.memory_space<vmem_shared>> -> memref<10240x128xf32, #tpu.memory_space<vmem_shared>>
    tpu.wait_indirect_dma semaphore(%arg19 : memref<!tpu.dma_semaphore, #tpu.memory_space<semaphore_mem>>) src(%arg10 : memref<128x128xf32, #tpu.memory_space<vmem>>) dst(%dma_wait3A_242 : memref<10240x128xf32, #tpu.memory_space<vmem_shared>>)
    %dma_wait3A_243 = arith.constant 0 : i32
    %dma_wait3A_244 = tpu.memref_slice %arg15[%dma_wait3A_243] : memref<10240xf32, #tpu.memory_space<vmem_shared>> -> memref<10240xf32, #tpu.memory_space<vmem_shared>>
    tpu.wait_indirect_dma semaphore(%arg23 : memref<!tpu.dma_semaphore, #tpu.memory_space<semaphore_mem>>) src(%arg12 : memref<128xf32, #tpu.memory_space<vmem>>) dst(%dma_wait3A_244 : memref<10240xf32, #tpu.memory_space<vmem_shared>>)
    %barrier3A_245 = arith.constant 0 : index
    tpu.barrier barrier_id(%barrier3A_245)
    %mul3A_246 = arith.constant 640 : i32
    %mul3A_247 = arith.muli %arg1, %mul3A_246 : i32
    %mul3A_248 = arith.constant 640 : i32
    %mul3A_249 = arith.muli %arg1, %mul3A_248 : i32
    "tpu.region"() ({
      %run_scoped3A_254 = tpu.sem_alloc : memref<!tpu.dma_semaphore, #tpu.memory_space<semaphore_mem>>
      %dma_start3A_255 = arith.constant 0 : i32
      %dma_start3A_256 = tpu.memref_slice %arg4[%arg0, %mul3A_249, %dma_start3A_255] : memref<2x10240x128xf32, #tpu.memory_space<hbm>> -> memref<1x640x128xf32, #tpu.memory_space<hbm>>
      %dma_start3A_257 = tpu.memref_squeeze %dma_start3A_256 : memref<1x640x128xf32, #tpu.memory_space<hbm>> -> memref<640x128xf32, #tpu.memory_space<hbm>>
      %dma_start3A_258 = arith.constant 0 : i32
      %dma_start3A_259 = tpu.memref_slice %arg14[%mul3A_247, %dma_start3A_258] : memref<10240x128xf32, #tpu.memory_space<vmem_shared>> -> memref<640x128xf32, #tpu.memory_space<vmem_shared>>
      tpu.enqueue_dma source(%dma_start3A_259 : memref<640x128xf32, #tpu.memory_space<vmem_shared>>) target(%dma_start3A_257 : memref<640x128xf32, #tpu.memory_space<hbm>>) target_semaphore(%run_scoped3A_254 : memref<!tpu.dma_semaphore, #tpu.memory_space<semaphore_mem>>)
      %dma_wait3A_260 = arith.constant 0 : i32
      %dma_wait3A_261 = tpu.memref_slice %arg4[%arg0, %mul3A_249, %dma_wait3A_260] : memref<2x10240x128xf32, #tpu.memory_space<hbm>> -> memref<1x640x128xf32, #tpu.memory_space<hbm>>
      %dma_wait3A_262 = tpu.memref_squeeze %dma_wait3A_261 : memref<1x640x128xf32, #tpu.memory_space<hbm>> -> memref<640x128xf32, #tpu.memory_space<hbm>>
      %dma_wait3A_263 = arith.constant 0 : i32
      %dma_wait3A_264 = tpu.memref_slice %arg14[%mul3A_247, %dma_wait3A_263] : memref<10240x128xf32, #tpu.memory_space<vmem_shared>> -> memref<640x128xf32, #tpu.memory_space<vmem_shared>>
      tpu.wait_dma2 semaphore(%run_scoped3A_254 : memref<!tpu.dma_semaphore, #tpu.memory_space<semaphore_mem>>) src(%dma_wait3A_264 : memref<640x128xf32, #tpu.memory_space<vmem_shared>>) dst(%dma_wait3A_262 : memref<640x128xf32, #tpu.memory_space<hbm>>)
      tpu.yield
    }) : () -> ()
    %mul3A_250 = arith.constant 640 : i32
    %mul3A_251 = arith.muli %arg1, %mul3A_250 : i32
    %mul3A_252 = arith.constant 640 : i32
    %mul3A_253 = arith.muli %arg1, %mul3A_252 : i32
    "tpu.region"() ({
      %run_scoped3A_254 = tpu.sem_alloc : memref<!tpu.dma_semaphore, #tpu.memory_space<semaphore_mem>>
      %dma_start3A_255 = tpu.memref_slice %arg5[%arg0, %mul3A_253] : memref<2x10240xf32, #tpu.memory_space<hbm>> -> memref<1x640xf32, #tpu.memory_space<hbm>>
      %dma_start3A_256 = tpu.memref_squeeze %dma_start3A_255 : memref<1x640xf32, #tpu.memory_space<hbm>> -> memref<640xf32, #tpu.memory_space<hbm>>
      %dma_start3A_257 = tpu.memref_slice %arg15[%mul3A_251] : memref<10240xf32, #tpu.memory_space<vmem_shared>> -> memref<640xf32, #tpu.memory_space<vmem_shared>>
      tpu.enqueue_dma source(%dma_start3A_257 : memref<640xf32, #tpu.memory_space<vmem_shared>>) target(%dma_start3A_256 : memref<640xf32, #tpu.memory_space<hbm>>) target_semaphore(%run_scoped3A_254 : memref<!tpu.dma_semaphore, #tpu.memory_space<semaphore_mem>>)
      %dma_wait3A_258 = tpu.memref_slice %arg5[%arg0, %mul3A_253] : memref<2x10240xf32, #tpu.memory_space<hbm>> -> memref<1x640xf32, #tpu.memory_space<hbm>>
      %dma_wait3A_259 = tpu.memref_squeeze %dma_wait3A_258 : memref<1x640xf32, #tpu.memory_space<hbm>> -> memref<640xf32, #tpu.memory_space<hbm>>
      %dma_wait3A_260 = tpu.memref_slice %arg15[%mul3A_251] : memref<10240xf32, #tpu.memory_space<vmem_shared>> -> memref<640xf32, #tpu.memory_space<vmem_shared>>
      tpu.wait_dma2 semaphore(%run_scoped3A_254 : memref<!tpu.dma_semaphore, #tpu.memory_space<semaphore_mem>>) src(%dma_wait3A_260 : memref<640xf32, #tpu.memory_space<vmem_shared>>) dst(%dma_wait3A_259 : memref<640xf32, #tpu.memory_space<hbm>>)
      tpu.yield
    }) : () -> ()
    return
  }
}

module attributes {stable_mosaic.version = 14 : i64} {
  func.func @_matmul_body(%arg0: i32, %arg1: memref<2x2000x1xf32, #tpu.memory_space<vmem>>, %arg2: memref<2000x128xf32, #tpu.memory_space<vmem>>, %arg3: memref<128x128xf32, #tpu.memory_space<vmem>>, %arg4: memref<2000x128xf32, #tpu.memory_space<vmem>>) attributes {dimension_semantics = [#tpu.dimension_semantics<arbitrary>], iteration_bounds = array<i64: 5>, scalar_prefetch = 0 : i64, scratch_operands = 0 : i64, tpu.core_type = #tpu.core_type<tc>, window_params = [{transform_indices = @transform_0, window_bounds = array<i64: 2, 2000, 1>}, {transform_indices = @transform_1, window_bounds = array<i64: 2000, 128>}, {pipeline_mode = #tpu.pipeline_mode<synchronous>, transform_indices = @transform_2, window_bounds = array<i64: 128, 128>}, {transform_indices = @transform_3, window_bounds = array<i64: 2000, 128>}]} {
    %get3A = arith.constant 0 : index
    %get3A_0 = arith.constant 0 : index
    %get3A_1 = arith.constant 0 : index
    %get3A_2 = vector.load %arg1[%get3A, %get3A_0, %get3A_1] : memref<2x2000x1xf32, #tpu.memory_space<vmem>>, vector<1x2000x1xf32>
    %get3A_3 = vector.shape_cast %get3A_2 : vector<1x2000x1xf32> to vector<2000x1xf32>
    %get3A_4 = arith.constant 1 : index
    %get3A_5 = arith.constant 0 : index
    %get3A_6 = arith.constant 0 : index
    %get3A_7 = vector.load %arg1[%get3A_4, %get3A_5, %get3A_6] : memref<2x2000x1xf32, #tpu.memory_space<vmem>>, vector<1x2000x1xf32>
    %get3A_8 = vector.shape_cast %get3A_7 : vector<1x2000x1xf32> to vector<2000x1xf32>
    %add3A = arith.addf %get3A_3, %get3A_8 : vector<2000x1xf32>
    %max3A = arith.constant 1.000000e+00 : f32
    %max3A_9 = vector.broadcast %max3A : f32 to vector<2000x1xf32>
    %max3A_10 = arith.maximumf %add3A, %max3A_9 : vector<2000x1xf32>
    %rsqrt3A = math.rsqrt %max3A_10 : vector<2000x1xf32>
    %get3A_11 = arith.constant 0 : index
    %get3A_12 = arith.constant 0 : index
    %get3A_13 = vector.load %arg2[%get3A_11, %get3A_12] : memref<2000x128xf32, #tpu.memory_space<vmem>>, vector<2000x128xf32>
    %mul3A = vector.broadcast %rsqrt3A : vector<2000x1xf32> to vector<2000x128xf32>
    %mul3A_14 = arith.mulf %get3A_13, %mul3A : vector<2000x128xf32>
    %get3A_15 = arith.constant 0 : index
    %get3A_16 = arith.constant 0 : index
    %get3A_17 = vector.load %arg3[%get3A_15, %get3A_16] : memref<128x128xf32, #tpu.memory_space<vmem>>, vector<128x128xf32>
    %dot_general3A = arith.constant dense<0.000000e+00> : vector<2000x128xf32>
    %dot_general3A_18 = tpu.matmul %mul3A_14, %get3A_17, %dot_general3A {dimension_numbers = #tpu.dot_dimension_numbers<[1], [0], [0], [1], [0, 0, 1, 1], [], []>, transpose_lhs_hint = false} : vector<2000x128xf32>, vector<128x128xf32>, vector<2000x128xf32> -> vector<2000x128xf32>
    %swap3A = arith.constant 0 : index
    %swap3A_19 = arith.constant 0 : index
    %swap3A_20 = vector.load %arg4[%swap3A, %swap3A_19] : memref<2000x128xf32, #tpu.memory_space<vmem>>, vector<2000x128xf32>
    tpu.vector_store %arg4[%swap3A, %swap3A_19], %dot_general3A_18 {strides = array<i32>} : memref<2000x128xf32, #tpu.memory_space<vmem>>, vector<2000x128xf32>,
    return
  }
  func.func @transform_0(%arg0: i32) -> (i32, i32, i32) {
    %c0_i32 = arith.constant 0 : i32
    %c0_i32_0 = arith.constant 0 : i32
    %c0_i32_1 = arith.constant 0 : i32
    return %c0_i32, %arg0, %c0_i32_0 : i32, i32, i32
  }
  func.func @transform_1(%arg0: i32) -> (i32, i32) {
    %c0_i32 = arith.constant 0 : i32
    %c0_i32_0 = arith.constant 0 : i32
    return %arg0, %c0_i32 : i32, i32
  }
  func.func @transform_2(%arg0: i32) -> (i32, i32) {
    %c0_i32 = arith.constant 0 : i32
    %c0_i32_0 = arith.constant 0 : i32
    %c0_i32_1 = arith.constant 0 : i32
    return %c0_i32, %c0_i32_0 : i32, i32
  }
  func.func @transform_3(%arg0: i32) -> (i32, i32) {
    %c0_i32 = arith.constant 0 : i32
    %c0_i32_0 = arith.constant 0 : i32
    return %arg0, %c0_i32 : i32, i32
  }
}

module attributes {stable_mosaic.version = 14 : i64} {
  func.func @_finalize_body(%arg0: i32, %arg1: memref<2x2000x1xf32, #tpu.memory_space<vmem>>, %arg2: memref<2x2000x128xf32, #tpu.memory_space<vmem>>, %arg3: memref<1x128xf32, #tpu.memory_space<vmem>>, %arg4: memref<2000x128xf32, #tpu.memory_space<vmem>>) attributes {dimension_semantics = [#tpu.dimension_semantics<arbitrary>], iteration_bounds = array<i64: 5>, scalar_prefetch = 0 : i64, scratch_operands = 0 : i64, tpu.core_type = #tpu.core_type<tc>, window_params = [{transform_indices = @transform_0, window_bounds = array<i64: 2, 2000, 1>}, {transform_indices = @transform_1, window_bounds = array<i64: 2, 2000, 128>}, {pipeline_mode = #tpu.pipeline_mode<synchronous>, transform_indices = @transform_2, window_bounds = array<i64: 1, 128>}, {transform_indices = @transform_3, window_bounds = array<i64: 2000, 128>}]} {
    %get3A = arith.constant 0 : index
    %get3A_0 = arith.constant 0 : index
    %get3A_1 = arith.constant 0 : index
    %get3A_2 = vector.load %arg1[%get3A, %get3A_0, %get3A_1] : memref<2x2000x1xf32, #tpu.memory_space<vmem>>, vector<1x2000x1xf32>
    %get3A_3 = vector.shape_cast %get3A_2 : vector<1x2000x1xf32> to vector<2000x1xf32>
    %get3A_4 = arith.constant 1 : index
    %get3A_5 = arith.constant 0 : index
    %get3A_6 = arith.constant 0 : index
    %get3A_7 = vector.load %arg1[%get3A_4, %get3A_5, %get3A_6] : memref<2x2000x1xf32, #tpu.memory_space<vmem>>, vector<1x2000x1xf32>
    %get3A_8 = vector.shape_cast %get3A_7 : vector<1x2000x1xf32> to vector<2000x1xf32>
    %add3A = arith.addf %get3A_3, %get3A_8 : vector<2000x1xf32>
    %max3A = arith.constant 1.000000e+00 : f32
    %max3A_9 = vector.broadcast %max3A : f32 to vector<2000x1xf32>
    %max3A_10 = arith.maximumf %add3A, %max3A_9 : vector<2000x1xf32>
    %rsqrt3A = math.rsqrt %max3A_10 : vector<2000x1xf32>
    %get3A_11 = arith.constant 0 : index
    %get3A_12 = arith.constant 0 : index
    %get3A_13 = arith.constant 0 : index
    %get3A_14 = vector.load %arg2[%get3A_11, %get3A_12, %get3A_13] : memref<2x2000x128xf32, #tpu.memory_space<vmem>>, vector<1x2000x128xf32>
    %get3A_15 = vector.shape_cast %get3A_14 : vector<1x2000x128xf32> to vector<2000x128xf32>
    %get3A_16 = arith.constant 1 : index
    %get3A_17 = arith.constant 0 : index
    %get3A_18 = arith.constant 0 : index
    %get3A_19 = vector.load %arg2[%get3A_16, %get3A_17, %get3A_18] : memref<2x2000x128xf32, #tpu.memory_space<vmem>>, vector<1x2000x128xf32>
    %get3A_20 = vector.shape_cast %get3A_19 : vector<1x2000x128xf32> to vector<2000x128xf32>
    %add3A_21 = arith.addf %get3A_15, %get3A_20 : vector<2000x128xf32>
    %mul3A = vector.broadcast %rsqrt3A : vector<2000x1xf32> to vector<2000x128xf32>
    %mul3A_22 = arith.mulf %add3A_21, %mul3A : vector<2000x128xf32>
    %get3A_23 = arith.constant 0 : index
    %get3A_24 = arith.constant 0 : index
    %get3A_25 = vector.load %arg3[%get3A_23, %get3A_24] : memref<1x128xf32, #tpu.memory_space<vmem>>, vector<1x128xf32>
    %add3A_26 = vector.broadcast %get3A_25 : vector<1x128xf32> to vector<2000x128xf32>
    %add3A_27 = arith.addf %mul3A_22, %add3A_26 : vector<2000x128xf32>
    %swap3A = arith.constant 0 : index
    %swap3A_28 = arith.constant 0 : index
    %swap3A_29 = vector.load %arg4[%swap3A, %swap3A_28] : memref<2000x128xf32, #tpu.memory_space<vmem>>, vector<2000x128xf32>
    tpu.vector_store %arg4[%swap3A, %swap3A_28], %add3A_27 {strides = array<i32>} : memref<2000x128xf32, #tpu.memory_space<vmem>>, vector<2000x128xf32>,
    return
  }
  func.func @transform_0(%arg0: i32) -> (i32, i32, i32) {
    %c0_i32 = arith.constant 0 : i32
    %c0_i32_0 = arith.constant 0 : i32
    %c0_i32_1 = arith.constant 0 : i32
    return %c0_i32, %arg0, %c0_i32_0 : i32, i32, i32
  }
  func.func @transform_1(%arg0: i32) -> (i32, i32, i32) {
    %c0_i32 = arith.constant 0 : i32
    %c0_i32_0 = arith.constant 0 : i32
    %c0_i32_1 = arith.constant 0 : i32
    return %c0_i32, %arg0, %c0_i32_0 : i32, i32, i32
  }
  func.func @transform_2(%arg0: i32) -> (i32, i32) {
    %c0_i32 = arith.constant 0 : i32
    %c0_i32_0 = arith.constant 0 : i32
    %c0_i32_1 = arith.constant 0 : i32
    return %c0_i32, %c0_i32_0 : i32, i32
  }
  func.func @transform_3(%arg0: i32) -> (i32, i32) {
    %c0_i32 = arith.constant 0 : i32
    %c0_i32_0 = arith.constant 0 : i32
    return %arg0, %c0_i32 : i32, i32
  }
}

</mosaic_0001>

<sc_bundles>
// kernel: kernel.6.cloned.1.call-start
scs
__scs_entry_jumppad:
0x0: {  	(pc) =	sbr.rel $0x88, $3  }
0x1: {  	(tag) =	ssettag $0x0;
	lr =	simm.s32 $0x1  }
0x2: {  	[smem:$0x3F9D] =	sst lr;
	_ =	strace $0xD0000000  }
0x3: {  	_ = 	snop  }
0x4: {  	_ = 	snop  }
0x5: {  	_ = 	snop  }
0x6: {  	_ = 	snop  }
0x7: {  	_ = 	snop  }
__scs_overlays_trampoline_lowered:
0x8: {  	[smem:$0x3FAC] =	sst s0  }
0x9: {  	[smem:$0x3FAD] =	sst s1  }
0xa: {  	[smem:$0x3FAE] =	sst s2  }
0xb: {  	[smem:$0x3FAF] =	sst s3  }
0xc: {  	[smem:$0x3FB0] =	sst s4  }
0xd: {  	[smem:$0x3FB1] =	sst s5  }
0xe: {  	[smem:$0x3FB2] =	sst s6  }
0xf: {  	[smem:$0x3FB3] =	sst s7  }
0x10: {  	[smem:$0x3FB4] =	sst s8  }
0x11: {  	[smem:$0x3FB5] =	sst s9;
	s0 =	simm.s32 @!p0 $0x0  }
0x12: {  	s1 =	sld [smem:$0x3F9B];
	s0 =	simm.s32 @p0 $0x1  }
0x13: {  	[smem:$0x3FB6] =	sst s0;
	s0 =	simm.s32 @!p1 $0x0  }
0x14: {  	s2 =	sld [smem:$0x3F9A];
	s0 =	simm.s32 @p1 $0x1  }
0x15: {  	[smem:$0x3FB7] =	sst s0;
	s0 =	simm.s32 @!p2 $0x0  }
0x16: {  	s3 =	sld [smem:$0x3FDB];
	s0 =	simm.s32 @p2 $0x1  }
0x17: {  	s4 =	simm.s32 $0x1BF5;
	[smem:$0x3FB9] =	sst s0  }
0x18: {  	s0 =	sld [smem:$0x3F9C];
	_ =	swait.ge [sflag:s4], $0x0  }
0x19: {  	s7 =	sld [smem:$0x3F9D]  }
0x1a: {  	s8 =	sadd.s32 $0xFFFFE003, lr  }
0x1b: {  	s9 =	sadd.s32 $0xFFFFFEF7, lr;
	s5 =	simm.s32 $0xFFFFFFFF;
	p2 =	slt.u32 s8, $0xFFFFF086  }
0x1c: {  	p1 =	slt.u32 s9, $0xF7A;
	s5 =	simm.s32 @!p2 $0x0  }
0x1d: {  	s5 =	simm.s32 @p1 $0x1;
	p0 =	seq.s32 s7, s2  }
0x1e: {  	s7 =	smul.u32 @!p0 $0xF7A, s2;
	p2 =	seq.s32 @!p0 s5, $0x0  }
0x1f: {  	s9 =	smul.u32 $0xF7A, s1;
	s8 =	simm.s32 @!p0 $0x1BF5;
	p2 =	por !p2, p0  }
0x20: {  	[sflag:s8] =	ssyncset.s32 @!p0 $0xFFFFF086;
	s6 =	sadd.s32 @!p0 s3, s7;
	s7 =	simm.s32 @!p0 $0x108  }
0x21: {  	s3 =	sadd.s32 s3, s9;
	s6 =	sadd.s32 @!p0 $0x88, s6;
	s7 =	simm.s32 @p2 $0x1082  }
0x22: {  	[simem:s7], [sflag:s8] =	dma.local @!p0 [hbm:s6], $0xF7A  }
0x23: {  	s9 =	sor.u32 $0xD0000000, s2;
	s6 =	simm.s32 $0x108;
	_ =	swait.ge @!p0 [sflag:s8], $0x0  }
0x24: {  	s3 =	sadd.s32 $0x88, s3;
	s6 =	simm.s32 @!p1 $0x1082;
	[sflag:s4] =	ssyncset.s32 $0xFFFFF086  }
0x25: {  	[simem:s6], [sflag:s4] =	dma.local [hbm:s3], $0xF7A  }
0x26: {  	[smem:$0x3F9D] =	sst s1;
	(tag) =	ssettag s2;
	_ =	strace s9  }
0x27: {  	s1 =	sld [smem:$0x3FAD]  }
0x28: {  	s2 =	sld [smem:$0x3FAE]  }
0x29: {  	s4 =	sld [smem:$0x3FB0]  }
0x2a: {  	p0 =	seq.s32 s5, $0x0;
	s5 =	sld [smem:$0x3FB1]  }
0x2b: {  	s6 =	sld [smem:$0x3FB2]  }
0x2c: {  	s7 =	sld [smem:$0x3FB3]  }
0x2d: {  	s3 =	simm.s32 $0x108;
	s8 =	sld [smem:$0x3FB4]  }
0x2e: {  	s3 =	simm.s32 @!p0 $0x1082;
	s9 =	sld [smem:$0x3FB5]  }
0x2f: {  	lr =	sadd.s32 s0, s3;
	s0 =	sld [smem:$0x3FAC]  }
0x30: {  	s3 =	sld [smem:$0x3FAF]  }
0x31: {  	[smem:$0x3FB8] =	sst s10  }
0x32: {  	s10 =	sld [smem:$0x3FB6];
	_ =	sdelay $0x3  }
0x33: {  	p0 =	seq.s32 s10, $0x1;
	s10 =	sld [smem:$0x3FB8];
	_ =	sdelay $0x3  }
0x34: {  	[smem:$0x3FB8] =	sst s10  }
0x35: {  	s10 =	sld [smem:$0x3FB7];
	_ =	sdelay $0x3  }
0x36: {  	p1 =	seq.s32 s10, $0x1;
	s10 =	sld [smem:$0x3FB8];
	_ =	sdelay $0x3  }
0x37: {  	[smem:$0x3FB8] =	sst s10  }
0x38: {  	s10 =	sld [smem:$0x3FB9]  }
0x39: {  	_ = 	snop;
	(pc) =	sbr.ind lr, $3  }
0x3a: {  	_ = 	snop  }
0x3b: {  	_ = 	snop  }
0x3c: {  	p2 =	seq.s32 s10, $0x1;
	s10 =	sld [smem:$0x3FB8]  }
0x3d: {  	_ =	shalt  }
0x3e: {  	_ =	shalt  }
0x3f: {  	_ =	shalt  }
0x40: {  	_ =	shalt  }
0x41: {  	_ =	shalt  }
0x42: {  	_ =	shalt  }
0x43: {  	_ =	shalt  }
0x44: {  	_ =	shalt  }
0x45: {  	_ =	shalt  }
0x46: {  	_ =	shalt  }
0x47: {  	_ =	shalt  }
0x48: {  	_ =	shalt  }
0x49: {  	_ =	shalt  }
0x4a: {  	_ =	shalt  }
0x4b: {  	_ =	shalt  }
0x4c: {  	_ =	shalt  }
0x4d: {  	_ =	shalt  }
0x4e: {  	_ =	shalt  }
0x4f: {  	_ =	shalt  }
0x50: {  	_ =	shalt  }
0x51: {  	_ =	shalt  }
0x52: {  	_ =	shalt  }
0x53: {  	_ =	shalt  }
0x54: {  	_ =	shalt  }
0x55: {  	_ =	shalt  }
0x56: {  	_ =	shalt  }
0x57: {  	_ =	shalt  }
0x58: {  	_ =	shalt  }
0x59: {  	_ =	shalt  }
0x5a: {  	_ =	shalt  }
0x5b: {  	_ =	shalt  }
0x5c: {  	_ =	shalt  }
0x5d: {  	_ =	shalt  }
0x5e: {  	_ =	shalt  }
0x5f: {  	_ =	shalt  }
0x60: {  	_ =	shalt  }
0x61: {  	_ =	shalt  }
0x62: {  	_ =	shalt  }
0x63: {  	_ =	shalt  }
0x64: {  	_ =	shalt  }
0x65: {  	_ =	shalt  }
0x66: {  	_ =	shalt  }
0x67: {  	_ =	shalt  }
0x68: {  	_ =	shalt  }
0x69: {  	_ =	shalt  }
0x6a: {  	_ =	shalt  }
0x6b: {  	_ =	shalt  }
0x6c: {  	_ =	shalt  }
0x6d: {  	_ =	shalt  }
0x6e: {  	_ =	shalt  }
0x6f: {  	_ =	shalt  }
0x70: {  	_ =	shalt  }
0x71: {  	_ =	shalt  }
0x72: {  	_ =	shalt  }
0x73: {  	_ =	shalt  }
0x74: {  	_ =	shalt  }
0x75: {  	_ =	shalt  }
0x76: {  	_ =	shalt  }
0x77: {  	_ =	shalt  }
0x78: {  	_ =	shalt  }
0x79: {  	_ =	shalt  }
0x7a: {  	_ =	shalt  }
0x7b: {  	_ =	shalt  }
0x7c: {  	_ =	shalt  }
0x7d: {  	_ =	shalt  }
0x7e: {  	_ =	shalt  }
0x7f: {  	_ =	shalt  }
0x80: {  	_ =	shalt  }
0x81: {  	_ =	shalt  }
0x82: {  	_ =	shalt  }
0x83: {  	_ =	shalt  }
0x84: {  	_ =	shalt  }
0x85: {  	_ =	shalt  }
0x86: {  	_ =	shalt  }
0x87: {  	_ =	shalt  }
.Lfunc_end0:
.L_simem_size_0:
called_computation_lowered:
.L_overlay_start_0:
0x88: {  	s2 =	sld [smem:$0x3FD9]  }
0x89: {  	s3 =	sld [smem:$0x3FFE];
	_ =	sdelay $0x1  }
0x8a: {  	s1 =	srdreg.scid  }
0x8b: {  	s0 =	sand.u32 $0x1, s1  }
0x8c: {  	s17 =	sshll.u32 s0, $0xA;
	s2 =	sadd.s32 s3, s2  }
0x8d: {  	s2 =	sadd.s32 s2, s17  }
0x8e: {  	[smem:$0x3FC4] =	sst s2  }
0x8f: {  	_ = 	snop  }
0x90: {  	s2 =	sld [smem:$0x3FD0];
	(tm) =	ssettm $0x1  }
0x91: {  	s18 =	sld [smem:$0x3FFB];
	_ =	sdelay $0x3  }
0x92: {  	_ =	strace s18  }
0x93: {  	s3 =	sld [smem:$0x3FFC];
	_ =	sdelay $0x3  }
0x94: {  	_ =	strace s3  }
0x95: {  	s3 =	sld [smem:$0x3FFD];
	_ =	sdelay $0x3  }
0x96: {  	_ =	strace s3  }
0x97: {  	_ =	strace $0x8FFFFFFF  }
0x98: {  	s19 =	sld [smem:$0x3FDB];
	_ =	sdelay $0x1  }
0x99: {  	s4 =	simm.s32 $_scs_section_size  }
0x9a: {  	s5 =	simm.s32 $_size__tile_overlayer_lowered;
	s6 =	simm.s32 $_tile_overlayer_lowered  }
0x9b: {  	s22 =	simm.s32 $0x1BFF;
	s21 =	sshll.u32 s6, $0x1;
	s3 =	sadd.s32 s4, s19  }
0x9c: {  	s7 =	simm.s32 $0x0;
	s20 =	sshll.u32 s5, $0x1;
	s5 =	sadd.s32 s21, s3  }
0x9d: {  	[timem:s7], [sflag:s22] =	dma.local [hbm:s5], s20  }
0x9e: {  	_ =	swait.ge [sflag:s22], s20  }
0x9f: {  	s4 =	ssub.s32 $0x0, s20;
	[sflag:s22] =	ssyncset.done $0x0  }
0xa0: {  	[sflag:s22] =	ssyncadd.s32 s4;
	_ =	sdelay $0x1  }
0xa1: {  	s23 =	simm.s32 $0x1B8B  }
0xa2: {  	_ =	swait.ge [sflag:s23], $0x1  }
0xa3: {  	[sflag:s23] =	ssyncset.done $0x0  }
0xa4: {  	s25 =	simm.s32 $0x1B8E;
	s24 =	sld [smem:$0x3FFE];
	[sflag:s23] =	ssyncadd.s32 $0xFFFFFFFF  }
0xa5: {  	s26 =	simm.s32 $execute0_lowered;
	[smem:$0x3FD2] =	sst s25  }
0xa6: {  	s5 =	sshll.u32 s26, $0x1;
	_ =	strace $0x80000046;
	[dreg:$0x1] =	wrdreg $0xFFFFFFFF  }
0xa7: {  	s28 =	simm.s32 $_size_execute0_lowered;
	s3 =	sadd.s32 s3, s5;
	[dreg:$0x0] =	wrdreg $0x0  }
0xa8: {  	s5 =	sshll.u32 s28, $0x1;
	[dreg:$0x2] =	wrdreg s3  }
0xa9: {  	[dreg:$0x3] =	wrdreg s5  }
0xaa: {  	[dreg:$0x4] =	wrdreg $0xC0  }
0xab: {  	_ =	task [dreg:s7], $0x5FFFF  }
0xac: {  	[dreg:$0x1] =	wrdreg $0xFFFFFFFF  }
0xad: {  	[dreg:$0x0] =	wrdreg $0x60  }
0xae: {  	[dreg:$0x2] =	wrdreg s2  }
0xaf: {  	[dreg:$0x3] =	wrdreg s24  }
0xb0: {  	[dreg:$0x4] =	wrdreg $0x4000  }
0xb1: {  	[dreg:$0x5] =	wrdreg $0x9  }
0xb2: {  	_ =	task.clear_ibuf [dreg:s7], $0x6FFFF;
	_ =	strace $0x90000046  }
0xb3: {  	s29 =	simm.s32 $0x9;
	_ =	strace $0x80000048  }
0xb4: {  	_ =	swait.ge [sflag:s29], $0x1  }
0xb5: {  	[sflag:s29] =	ssyncadd.s32 $0xFFFFFFFF  }
0xb6: {  	_ =	strace $0x90000048  }
0xb7: {  	_ =	sfence  }
0xb8: {  	s30 =	sld [smem:$0x0];
	_ =	sdelay $0x2  }
0xb9: {  	s31 =	sshll.u32 s1, $0xD;
	s1 =	sshrl.u32 s1, $0x2  }
0xba: {  	s3 =	sand.u32 $0x4000, s31;
	s1 =	sadd.s32 s1, s30  }
0xbb: {  	s0 =	sor.u32 s3, s0;
	s1 =	sshll.u32 s1, $0x11  }
0xbc: {  	s0 =	sor.u32 s1, s0  }
0xbd: {  	s0 =	sadd.s32 $0x8F2B, s0  }
0xbe: {  	[sflag:s0] =	ssyncadd.remote.s32 $0x1  }
0xbf: {  	_ =	sfence.sel $0xFFFF  }
0xc0: {  	[dreg:$0x0] =	wrdreg $0xFFFFFFFF;
	(pc) =	sbr.abs _section_cstart, $3  }
0xc1: {  	[dreg:$0x1] =	wrdreg $0xFFFFFFFF  }
0xc2: {  	_ =	task.clear_ibuf [dreg:s7], $0x2FFFF;
	_ =	strace $0x9FFFFFFF  }
0xc3: {  	(tm) =	ssettm $0x7FFFFFFF  }
tec
execute0_lowered:
.L_overlay_start_1:
0x0: {  	(tag) =	ssettag $0x1  }
0x1: {  	s7 =	rddreg [dreg:$0x0]  }
0x2: {  	s4 =	rddreg [dreg:$0x1]  }
0x3: {  	s2 =	rddreg [dreg:$0x2]  }
0x4: {  	s0 =	rddreg [dreg:$0x3]  }
0x5: {  	s3 =	simm.s32 $0x0;
	s5 =	srdreg.scid;
	s1 =	stileid.u32  }
0x6: {  	s14 =	simm.s32 $0x1;
	s15 =	simm.s32 $0x100;
	s16 =	simm.s32 $0x3  }
0x7: {  	s17 =	simm.s32 $0x2;
	s18 =	simm.s32 $0x4;
	s21 =	simm.s32 $0x20  }
0x8: {  	s22 =	simm.s32 $0x10;
	s23 =	simm.s32 $0x0;
	s6 =	smul.u32 $0x500, s1  }
0x9: {  	[smem:$0x7FF] =	sst s3;
	s5 =	sand.u32 $0x1, s5;
	s9 =	smul.u32 $0xA00, s1  }
0xa: {  	s28 =	sshll.u32 s1, $0x1;
	s10 =	smul.u32 $0xA0, s1;
	s19 =	sshll.u32 s1, $0x6  }
0xb: {  	_ =	strace $0x80000047;
	s8 =	sshll.u32 s5, $0x7;
	s11 =	ssub.s32 $0x2, s5  }
0xc: {  	s19 =	sor.u32 $0x1C05, s19;
	s6 =	sor.u32 s8, s6;
	s8 =	sor.u32 s5, s28  }
0xd: {  	s5 =	smul.u32 $0x50, s5;
	s12 =	sshrl.u32 s11, $0x1;
	s29 =	sshrl.u32 s9, $0x2  }
0xe: {  	s6 =	sshrl.u32 s6, $0x3;
	s8 =	smul.u32 $0xA00, s8;
	s11 =	ssub.s32 s11, s12  }
0xf: {  	s12 =	simm.s32 $0x5;
	s13 =	sadd.s32 s6, s4;
	s5 =	sadd.s32 s5, s10  }
0x10: {  	s4 =	sadd.s32 s7, s8;
	s30 =	sshll.u32 s5, $0x5;
	s5 =	sadd.s32 s29, s2  }
0x11: {  	s8 =	smax.u32 s11, $0x1;
	s11 =	simm.s32 $0x180;
	s6 =	sadd.s32 $0x20, s4  }
0x12: {  	s31 =	sadd.s32 s30, s7;
	s7 =	sadd.s32 $0x1C00, s13;
	s13 =	simm.s32 $0x80  }
0x13: {  	v0 =	vimm.f32 $1.000000000e+00;
	v1 =	vimm.f32 $0.0e+00;
	s20 =	sshrl.u32 s5, $0x3;
	s9 =	sadd.s32 $0x60, s31;
	s10 =	sadd.s32 $0x40, s31  }
.LBB2_1:
0x14: {  	[tilespmem:$0x100] =	vst v0  }
0x15: {  	[tilespmem:$0x110] =	vst v0  }
0x16: {  	[tilespmem:$0x120] =	vst v0  }
0x17: {  	[tilespmem:$0x130] =	vst v0  }
0x18: {  	[tilespmem:$0x140] =	vst v0  }
0x19: {  	[tilespmem:$0x150] =	vst v0  }
0x1a: {  	[tilespmem:$0x160] =	vst v0  }
0x1b: {  	[tilespmem:$0x170] =	vst v0  }
0x1c: {  	[tilespmem:$0x180] =	vst v1  }
0x1d: {  	[tilespmem:$0x190] =	vst v1  }
0x1e: {  	[tilespmem:$0x1A0] =	vst v1  }
0x1f: {  	[tilespmem:$0x1B0] =	vst v1  }
0x20: {  	[tilespmem:$0x1C0] =	vst v1  }
0x21: {  	[tilespmem:$0x1D0] =	vst v1  }
0x22: {  	[tilespmem:$0x1E0] =	vst v1  }
0x23: {  	[tilespmem:$0x1F0] =	vst v1  }
0x24: {  	[tilespmem:$0x200] =	vst v1  }
0x25: {  	[tilespmem:$0x210] =	vst v1  }
0x26: {  	[tilespmem:$0x220] =	vst v1  }
0x27: {  	[tilespmem:$0x230] =	vst v1  }
0x28: {  	[tilespmem:$0x240] =	vst v1  }
0x29: {  	[tilespmem:$0x250] =	vst v1  }
0x2a: {  	[tilespmem:$0x260] =	vst v1  }
0x2b: {  	[tilespmem:$0x270] =	vst v1  }
0x2c: {  	[tilespmem:$0x280] =	vst v1  }
0x2d: {  	[tilespmem:$0x290] =	vst v1  }
0x2e: {  	[tilespmem:$0x2A0] =	vst v1  }
0x2f: {  	[tilespmem:$0x2B0] =	vst v1  }
0x30: {  	[tilespmem:$0x2C0] =	vst v1  }
0x31: {  	[tilespmem:$0x2D0] =	vst v1  }
0x32: {  	[tilespmem:$0x2E0] =	vst v1  }
0x33: {  	[tilespmem:$0x2F0] =	vst v1  }
0x34: {  	[tilespmem:$0x300] =	vst v1  }
0x35: {  	[tilespmem:$0x310] =	vst v1  }
0x36: {  	[tilespmem:$0x320] =	vst v1  }
0x37: {  	[tilespmem:$0x330] =	vst v1  }
0x38: {  	[tilespmem:$0x340] =	vst v1  }
0x39: {  	[tilespmem:$0x350] =	vst v1  }
0x3a: {  	[tilespmem:$0x360] =	vst v1  }
0x3b: {  	[tilespmem:$0x370] =	vst v1  }
0x3c: {  	[tilespmem:$0x380] =	vst v1  }
0x3d: {  	[tilespmem:$0x390] =	vst v1  }
0x3e: {  	[tilespmem:$0x3A0] =	vst v1  }
0x3f: {  	[tilespmem:$0x3B0] =	vst v1  }
0x40: {  	[tilespmem:$0x3C0] =	vst v1  }
0x41: {  	[tilespmem:$0x3D0] =	vst v1  }
0x42: {  	[tilespmem:$0x3E0] =	vst v1  }
0x43: {  	[tilespmem:$0x3F0] =	vst v1  }
0x44: {  	[spmem:s5] =	stream.linear.scatter [tilespmem:s11], [sflag:$0x5], $0x280, $0x38;
	[tilespmem:$0x680] =	vst v63  }
0x45: {  	_ =	swait.ge [sflag:s12], $0x280  }
0x46: {  	[sflag:s12] =	ssyncset.done $0x0  }
0x47: {  	[sflag:s12] =	ssyncadd.s32 $0xFFFFFD80  }
0x48: {  	[bflag:$0x0] =	sbarrier.arrive $0xFFFF  }
0x49: {  	[tilespmem:s3], [sflag:$0x1] =	stream.linear.gather [hbm4b:s4+s3], $0x80, $0x38;
	[tilespmem:$0x680] =	vst v63  }
0x4a: {  	_ = 	snop  }
0x4b: {  	[tilespmem:s13], [sflag:$0x2] =	stream.linear.gather [hbm4b:s6+s3], $0x80, $0x38;
	[tilespmem:$0x680] =	vst v63  }
0x4c: {  	_ =	swait.ge [sflag:s14], $0x80  }
0x4d: {  	[sflag:s14] =	ssyncset.done $0x0  }
0x4e: {  	[sflag:s14] =	ssyncadd.s32 $0xFFFFFF80  }
0x4f: {  	[spmem:s2] =	stream.indirect.scatter.add.f32 [tilespmem:s15], [sflag:$0x3], $0x1, s3, s13, $0xb8;
	[tilespmem:$0x680] =	vst v63  }
0x50: {  	_ =	swait.ge [sflag:s16], $0x80  }
0x51: {  	[sflag:s16] =	ssyncset.done $0x0  }
0x52: {  	s24 =	sadd.s32 $0x0, s10;
	[sflag:s16] =	ssyncadd.s32 $0xFFFFFF80  }
0x53: {  	[tilespmem:s3], [sflag:$0x1] =	stream.linear.gather [hbm4b:s24+s3], $0x80, $0x38;
	[tilespmem:$0x680] =	vst v63  }
0x54: {  	_ =	swait.ge [sflag:s17], $0x80  }
0x55: {  	[sflag:s17] =	ssyncset.done $0x0  }
0x56: {  	[sflag:s17] =	ssyncadd.s32 $0xFFFFFF80  }
0x57: {  	[spmem:s2] =	stream.indirect.scatter.add.f32 [tilespmem:s15], [sflag:$0x4], $0x1, s13, s13, $0xb8;
	[tilespmem:$0x680] =	vst v63  }
0x58: {  	_ =	swait.ge [sflag:s18], $0x80  }
0x59: {  	[sflag:s18] =	ssyncset.done $0x0  }
0x5a: {  	s25 =	sadd.s32 $0x0, s9;
	s24 =	simm.s32 $0x40;
	[sflag:s18] =	ssyncadd.s32 $0xFFFFFF80  }
.LBB2_2:
0x5b: {  	[tilespmem:s13], [sflag:$0x2] =	stream.linear.gather [hbm4b:s25+s3], $0x80, $0x38;
	[tilespmem:$0x680] =	vst v63  }
0x5c: {  	s25 =	smov.u32 s24  }
0x5d: {  	p0 =	sne.s32 s24, $0x980;
	s24 =	sadd.s32 $0x40, s24;
	_ =	swait.ge [sflag:s14], $0x80  }
0x5e: {  	[sflag:s14] =	ssyncset.done $0x0  }
0x5f: {  	[sflag:s14] =	ssyncadd.s32 $0xFFFFFF80  }
0x60: {  	[spmem:s2] =	stream.indirect.scatter.add.f32 [tilespmem:s15], [sflag:$0x3], $0x1, s3, s13, $0xb8;
	[tilespmem:$0x680] =	vst v63  }
0x61: {  	_ =	swait.ge [sflag:s16], $0x80  }
0x62: {  	[sflag:s16] =	ssyncset.done $0x0  }
0x63: {  	s26 =	sadd.s32 s25, s10;
	[sflag:s16] =	ssyncadd.s32 $0xFFFFFF80  }
0x64: {  	[tilespmem:s3], [sflag:$0x1] =	stream.linear.gather [hbm4b:s26+s3], $0x80, $0x38;
	[tilespmem:$0x680] =	vst v63  }
0x65: {  	_ =	swait.ge [sflag:s17], $0x80  }
0x66: {  	[sflag:s17] =	ssyncset.done $0x0  }
.Ltmp0:
0x67: {  	[sflag:s17] =	ssyncadd.s32 $0xFFFFFF80;
	(pc) =	sbr.rel @p0 .LBB2_2-.Ltmp0, $4  }
0x68: {  	[spmem:s2] =	stream.indirect.scatter.add.f32 [tilespmem:s15], [sflag:$0x4], $0x1, s13, s13, $0xb8;
	[tilespmem:$0x680] =	vst v63  }
0x69: {  	_ =	swait.ge [sflag:s18], $0x80  }
0x6a: {  	[sflag:s18] =	ssyncset.done $0x0  }
0x6b: {  	s25 =	sadd.s32 s25, s9;
	[sflag:s18] =	ssyncadd.s32 $0xFFFFFF80  }
0x6c: {  	[tilespmem:s13], [sflag:$0x2] =	stream.linear.gather [hbm4b:s25+s3], $0x80, $0x38;
	[tilespmem:$0x680] =	vst v63  }
0x6d: {  	_ =	swait.ge [sflag:s14], $0x80  }
0x6e: {  	[sflag:s14] =	ssyncset.done $0x0  }
0x6f: {  	[sflag:s14] =	ssyncadd.s32 $0xFFFFFF80  }
0x70: {  	[spmem:s2] =	stream.indirect.scatter.add.f32 [tilespmem:s15], [sflag:$0x3], $0x1, s3, s13, $0xb8;
	[tilespmem:$0x680] =	vst v63  }
0x71: {  	_ =	swait.ge [sflag:s17], $0x80  }
0x72: {  	[sflag:s17] =	ssyncset.done $0x0  }
0x73: {  	[sflag:s17] =	ssyncadd.s32 $0xFFFFFF80  }
0x74: {  	[spmem:s2] =	stream.indirect.scatter.add.f32 [tilespmem:s15], [sflag:$0x4], $0x1, s13, s13, $0xb8;
	[tilespmem:$0x680] =	vst v63  }
0x75: {  	_ =	swait.ge [sflag:s16], $0x80  }
0x76: {  	[sflag:s16] =	ssyncset.done $0x0  }
0x77: {  	[sflag:s16] =	ssyncadd.s32 $0xFFFFFF80  }
0x78: {  	_ =	swait.ge [sflag:s18], $0x80  }
0x79: {  	s23 =	sadd.s32 $0x1, s23;
	[sflag:s18] =	ssyncset.done $0x0  }
0x7a: {  	p0 =	sne.s32 s23, s8;
	[sflag:s18] =	ssyncadd.s32 $0xFFFFFF80  }
.Ltmp1:
0x7b: {  	[bflag:$0x0] =	sbarrier.arrive $0xFFFF;
	(pc) =	sbr.rel @p0 .LBB2_1-.Ltmp1, $4  }
0x7c: {  	[hbm:s7@s21], [sflag:s19] =	dma.strided [spmem:s20@s22], $0x50, s14, $0x10   }
0x7d: {  	_ =	swait.ge [sflag:s12], $0x50  }
0x7e: {  	[sflag:s12] =	ssyncset.done $0x0  }
0x7f: {  	[sflag:s12] =	ssyncadd.s32 $0xFFFFFFB0  }
0x80: {  	_ =	sfence.sel $0x180000  }
0x81: {  	[bflag:$0x0] =	sbarrier.arrive $0xFFFF  }
0x82: {  	p0 =	sne.s32 s1, $0x0;
	_ =	strace $0x90000047  }
0x83: {  	s0 =	sadd.s32 @!p0 $0x100000, s0;
	[bflag:$0x2] =	sbarrier.arrive $0xFFFF  }
0x84: {  	[sflag:s0] =	ssyncadd.tile.s32 @!p0 $0x1;
	_ =	shalt  }
.Lfunc_end2:
_tile_overlayer_lowered:
.L_overlay_start_2:
0x85: {  	(tag) =	ssettag $0x2  }
0x86: {  	s0 =	rddreg [dreg:$0x0];
	s2 =	stileid.u32  }
0x87: {  	s1 =	rddreg [dreg:$0x1];
	p0 =	sne.s32 s2, $0x0  }
0x88: {  	s3 =	rddreg [dreg:$0x2];
	[bflag:$0x3] =	sbarrier.arrive $0xFFFF;
	s2 =	simm.s32 @!p0 $0x1C05  }
0x89: {  	[timem:s3], [sflag:s2] =	dma.local @!p0 [hbm:s0], s1  }
0x8a: {  	s0 =	simm.s32 @!p0 $0x5  }
0x8b: {  	_ =	swait.ge @!p0 [sflag:s0], s1  }
0x8c: {  	s1 =	ssub.s32 @!p0 $0x0, s1;
	[sflag:s0] =	ssyncset.done @!p0 $0x0  }
0x8d: {  	[sflag:s0] =	ssyncadd.s32 @!p0 s1  }
0x8e: {  	[bflag:$0x3] =	sbarrier.arrive $0xFFFF  }
0x8f: {  	_ =	shalt  }

// kernel: kernel.9.cloned.1.call-start
scs
__scs_entry_jumppad:
0x0: {  	(pc) =	sbr.rel $0x88, $3  }
0x1: {  	(tag) =	ssettag $0x0;
	lr =	simm.s32 $0x1  }
0x2: {  	[smem:$0x3F9D] =	sst lr;
	_ =	strace $0xD0000000  }
0x3: {  	_ = 	snop  }
0x4: {  	_ = 	snop  }
0x5: {  	_ = 	snop  }
0x6: {  	_ = 	snop  }
0x7: {  	_ = 	snop  }
__scs_overlays_trampoline_lowered:
0x8: {  	[smem:$0x3FAC] =	sst s0  }
0x9: {  	[smem:$0x3FAD] =	sst s1  }
0xa: {  	[smem:$0x3FAE] =	sst s2  }
0xb: {  	[smem:$0x3FAF] =	sst s3  }
0xc: {  	[smem:$0x3FB0] =	sst s4  }
0xd: {  	[smem:$0x3FB1] =	sst s5  }
0xe: {  	[smem:$0x3FB2] =	sst s6  }
0xf: {  	[smem:$0x3FB3] =	sst s7  }
0x10: {  	[smem:$0x3FB4] =	sst s8  }
0x11: {  	[smem:$0x3FB5] =	sst s9;
	s0 =	simm.s32 @!p0 $0x0  }
0x12: {  	s1 =	sld [smem:$0x3F9B];
	s0 =	simm.s32 @p0 $0x1  }
0x13: {  	[smem:$0x3FB6] =	sst s0;
	s0 =	simm.s32 @!p1 $0x0  }
0x14: {  	s2 =	sld [smem:$0x3F9A];
	s0 =	simm.s32 @p1 $0x1  }
0x15: {  	[smem:$0x3FB7] =	sst s0;
	s0 =	simm.s32 @!p2 $0x0  }
0x16: {  	s3 =	sld [smem:$0x3FDB];
	s0 =	simm.s32 @p2 $0x1  }
0x17: {  	s4 =	simm.s32 $0x1BF5;
	[smem:$0x3FB9] =	sst s0  }
0x18: {  	s0 =	sld [smem:$0x3F9C];
	_ =	swait.ge [sflag:s4], $0x0  }
0x19: {  	s7 =	sld [smem:$0x3F9D]  }
0x1a: {  	s8 =	sadd.s32 $0xFFFFE003, lr  }
0x1b: {  	s9 =	sadd.s32 $0xFFFFFEF7, lr;
	s5 =	simm.s32 $0xFFFFFFFF;
	p2 =	slt.u32 s8, $0xFFFFF086  }
0x1c: {  	p1 =	slt.u32 s9, $0xF7A;
	s5 =	simm.s32 @!p2 $0x0  }
0x1d: {  	s5 =	simm.s32 @p1 $0x1;
	p0 =	seq.s32 s7, s2  }
0x1e: {  	s7 =	smul.u32 @!p0 $0xF7A, s2;
	p2 =	seq.s32 @!p0 s5, $0x0  }
0x1f: {  	s9 =	smul.u32 $0xF7A, s1;
	s8 =	simm.s32 @!p0 $0x1BF5;
	p2 =	por !p2, p0  }
0x20: {  	[sflag:s8] =	ssyncset.s32 @!p0 $0xFFFFF086;
	s6 =	sadd.s32 @!p0 s3, s7;
	s7 =	simm.s32 @!p0 $0x108  }
0x21: {  	s3 =	sadd.s32 s3, s9;
	s6 =	sadd.s32 @!p0 $0x88, s6;
	s7 =	simm.s32 @p2 $0x1082  }
0x22: {  	[simem:s7], [sflag:s8] =	dma.local @!p0 [hbm:s6], $0xF7A  }
0x23: {  	s9 =	sor.u32 $0xD0000000, s2;
	s6 =	simm.s32 $0x108;
	_ =	swait.ge @!p0 [sflag:s8], $0x0  }
0x24: {  	s3 =	sadd.s32 $0x88, s3;
	s6 =	simm.s32 @!p1 $0x1082;
	[sflag:s4] =	ssyncset.s32 $0xFFFFF086  }
0x25: {  	[simem:s6], [sflag:s4] =	dma.local [hbm:s3], $0xF7A  }
0x26: {  	[smem:$0x3F9D] =	sst s1;
	(tag) =	ssettag s2;
	_ =	strace s9  }
0x27: {  	s1 =	sld [smem:$0x3FAD]  }
0x28: {  	s2 =	sld [smem:$0x3FAE]  }
0x29: {  	s4 =	sld [smem:$0x3FB0]  }
0x2a: {  	p0 =	seq.s32 s5, $0x0;
	s5 =	sld [smem:$0x3FB1]  }
0x2b: {  	s6 =	sld [smem:$0x3FB2]  }
0x2c: {  	s7 =	sld [smem:$0x3FB3]  }
0x2d: {  	s3 =	simm.s32 $0x108;
	s8 =	sld [smem:$0x3FB4]  }
0x2e: {  	s3 =	simm.s32 @!p0 $0x1082;
	s9 =	sld [smem:$0x3FB5]  }
0x2f: {  	lr =	sadd.s32 s0, s3;
	s0 =	sld [smem:$0x3FAC]  }
0x30: {  	s3 =	sld [smem:$0x3FAF]  }
0x31: {  	[smem:$0x3FB8] =	sst s10  }
0x32: {  	s10 =	sld [smem:$0x3FB6];
	_ =	sdelay $0x3  }
0x33: {  	p0 =	seq.s32 s10, $0x1;
	s10 =	sld [smem:$0x3FB8];
	_ =	sdelay $0x3  }
0x34: {  	[smem:$0x3FB8] =	sst s10  }
0x35: {  	s10 =	sld [smem:$0x3FB7];
	_ =	sdelay $0x3  }
0x36: {  	p1 =	seq.s32 s10, $0x1;
	s10 =	sld [smem:$0x3FB8];
	_ =	sdelay $0x3  }
0x37: {  	[smem:$0x3FB8] =	sst s10  }
0x38: {  	s10 =	sld [smem:$0x3FB9]  }
0x39: {  	_ = 	snop;
	(pc) =	sbr.ind lr, $3  }
0x3a: {  	_ = 	snop  }
0x3b: {  	_ = 	snop  }
0x3c: {  	p2 =	seq.s32 s10, $0x1;
	s10 =	sld [smem:$0x3FB8]  }
0x3d: {  	_ =	shalt  }
0x3e: {  	_ =	shalt  }
0x3f: {  	_ =	shalt  }
0x40: {  	_ =	shalt  }
0x41: {  	_ =	shalt  }
0x42: {  	_ =	shalt  }
0x43: {  	_ =	shalt  }
0x44: {  	_ =	shalt  }
0x45: {  	_ =	shalt  }
0x46: {  	_ =	shalt  }
0x47: {  	_ =	shalt  }
0x48: {  	_ =	shalt  }
0x49: {  	_ =	shalt  }
0x4a: {  	_ =	shalt  }
0x4b: {  	_ =	shalt  }
0x4c: {  	_ =	shalt  }
0x4d: {  	_ =	shalt  }
0x4e: {  	_ =	shalt  }
0x4f: {  	_ =	shalt  }
0x50: {  	_ =	shalt  }
0x51: {  	_ =	shalt  }
0x52: {  	_ =	shalt  }
0x53: {  	_ =	shalt  }
0x54: {  	_ =	shalt  }
0x55: {  	_ =	shalt  }
0x56: {  	_ =	shalt  }
0x57: {  	_ =	shalt  }
0x58: {  	_ =	shalt  }
0x59: {  	_ =	shalt  }
0x5a: {  	_ =	shalt  }
0x5b: {  	_ =	shalt  }
0x5c: {  	_ =	shalt  }
0x5d: {  	_ =	shalt  }
0x5e: {  	_ =	shalt  }
0x5f: {  	_ =	shalt  }
0x60: {  	_ =	shalt  }
0x61: {  	_ =	shalt  }
0x62: {  	_ =	shalt  }
0x63: {  	_ =	shalt  }
0x64: {  	_ =	shalt  }
0x65: {  	_ =	shalt  }
0x66: {  	_ =	shalt  }
0x67: {  	_ =	shalt  }
0x68: {  	_ =	shalt  }
0x69: {  	_ =	shalt  }
0x6a: {  	_ =	shalt  }
0x6b: {  	_ =	shalt  }
0x6c: {  	_ =	shalt  }
0x6d: {  	_ =	shalt  }
0x6e: {  	_ =	shalt  }
0x6f: {  	_ =	shalt  }
0x70: {  	_ =	shalt  }
0x71: {  	_ =	shalt  }
0x72: {  	_ =	shalt  }
0x73: {  	_ =	shalt  }
0x74: {  	_ =	shalt  }
0x75: {  	_ =	shalt  }
0x76: {  	_ =	shalt  }
0x77: {  	_ =	shalt  }
0x78: {  	_ =	shalt  }
0x79: {  	_ =	shalt  }
0x7a: {  	_ =	shalt  }
0x7b: {  	_ =	shalt  }
0x7c: {  	_ =	shalt  }
0x7d: {  	_ =	shalt  }
0x7e: {  	_ =	shalt  }
0x7f: {  	_ =	shalt  }
0x80: {  	_ =	shalt  }
0x81: {  	_ =	shalt  }
0x82: {  	_ =	shalt  }
0x83: {  	_ =	shalt  }
0x84: {  	_ =	shalt  }
0x85: {  	_ =	shalt  }
0x86: {  	_ =	shalt  }
0x87: {  	_ =	shalt  }
.Lfunc_end0:
.L_simem_size_0:
called_computation.1_lowered:
.L_overlay_start_0:
0x88: {  	s2 =	sld [smem:$0x3FD9]  }
0x89: {  	s3 =	sld [smem:$0x3FFE];
	_ =	sdelay $0x1  }
0x8a: {  	s1 =	srdreg.scid  }
0x8b: {  	s0 =	sand.u32 $0x1, s1  }
0x8c: {  	s17 =	sshll.u32 s0, $0xA;
	s2 =	sadd.s32 s3, s2  }
0x8d: {  	s2 =	sadd.s32 s2, s17  }
0x8e: {  	[smem:$0x3FC4] =	sst s2  }
0x8f: {  	_ = 	snop  }
0x90: {  	s2 =	sld [smem:$0x3FD0];
	(tm) =	ssettm $0x1  }
0x91: {  	s18 =	sld [smem:$0x3FFB];
	_ =	sdelay $0x3  }
0x92: {  	_ =	strace s18  }
0x93: {  	s3 =	sld [smem:$0x3FFC];
	_ =	sdelay $0x3  }
0x94: {  	_ =	strace s3  }
0x95: {  	s3 =	sld [smem:$0x3FFD];
	_ =	sdelay $0x3  }
0x96: {  	_ =	strace s3  }
0x97: {  	_ =	strace $0x8FFFFFFF  }
0x98: {  	s19 =	sld [smem:$0x3FDB];
	_ =	sdelay $0x1  }
0x99: {  	s4 =	simm.s32 $_scs_section_size  }
0x9a: {  	s5 =	simm.s32 $_size__tile_overlayer_lowered;
	s6 =	simm.s32 $_tile_overlayer_lowered  }
0x9b: {  	s22 =	simm.s32 $0x1BFF;
	s21 =	sshll.u32 s6, $0x1;
	s3 =	sadd.s32 s4, s19  }
0x9c: {  	s7 =	simm.s32 $0x0;
	s20 =	sshll.u32 s5, $0x1;
	s5 =	sadd.s32 s21, s3  }
0x9d: {  	[timem:s7], [sflag:s22] =	dma.local [hbm:s5], s20  }
0x9e: {  	_ =	swait.ge [sflag:s22], s20  }
0x9f: {  	s4 =	ssub.s32 $0x0, s20;
	[sflag:s22] =	ssyncset.done $0x0  }
0xa0: {  	[sflag:s22] =	ssyncadd.s32 s4;
	_ =	sdelay $0x1  }
0xa1: {  	s23 =	simm.s32 $0x1B8B  }
0xa2: {  	_ =	swait.ge [sflag:s23], $0x1  }
0xa3: {  	[sflag:s23] =	ssyncset.done $0x0  }
0xa4: {  	s25 =	simm.s32 $0x1B8E;
	s24 =	sld [smem:$0x3FFE];
	[sflag:s23] =	ssyncadd.s32 $0xFFFFFFFF  }
0xa5: {  	s26 =	simm.s32 $execute0_lowered;
	[smem:$0x3FD2] =	sst s25  }
0xa6: {  	s5 =	sshll.u32 s26, $0x1;
	_ =	strace $0x80000049;
	[dreg:$0x1] =	wrdreg $0xFFFFFFFF  }
0xa7: {  	s28 =	simm.s32 $_size_execute0_lowered;
	s3 =	sadd.s32 s3, s5;
	[dreg:$0x0] =	wrdreg $0x0  }
0xa8: {  	s5 =	sshll.u32 s28, $0x1;
	[dreg:$0x2] =	wrdreg s3  }
0xa9: {  	[dreg:$0x3] =	wrdreg s5  }
0xaa: {  	[dreg:$0x4] =	wrdreg $0xC0  }
0xab: {  	_ =	task [dreg:s7], $0x5FFFF  }
0xac: {  	[dreg:$0x1] =	wrdreg $0xFFFFFFFF  }
0xad: {  	[dreg:$0x0] =	wrdreg $0x60  }
0xae: {  	[dreg:$0x2] =	wrdreg s24  }
0xaf: {  	[dreg:$0x3] =	wrdreg s2  }
0xb0: {  	[dreg:$0x4] =	wrdreg $0xB4000  }
0xb1: {  	[dreg:$0x5] =	wrdreg $0x1F4000  }
0xb2: {  	[dreg:$0x6] =	wrdreg $0x9  }
0xb3: {  	_ =	task.clear_ibuf [dreg:s7], $0x7FFFF;
	_ =	strace $0x90000049  }
0xb4: {  	s29 =	simm.s32 $0x9;
	_ =	strace $0x8000004B  }
0xb5: {  	_ =	swait.ge [sflag:s29], $0x1  }
0xb6: {  	[sflag:s29] =	ssyncadd.s32 $0xFFFFFFFF  }
0xb7: {  	_ =	strace $0x9000004B  }
0xb8: {  	_ =	sfence  }
0xb9: {  	s30 =	sld [smem:$0x0];
	_ =	sdelay $0x2  }
0xba: {  	s31 =	sshll.u32 s1, $0xD;
	s1 =	sshrl.u32 s1, $0x2  }
0xbb: {  	s3 =	sand.u32 $0x4000, s31;
	s1 =	sadd.s32 s1, s30  }
0xbc: {  	s0 =	sor.u32 s3, s0;
	s1 =	sshll.u32 s1, $0x11  }
0xbd: {  	s0 =	sor.u32 s1, s0  }
0xbe: {  	s0 =	sadd.s32 $0x8F2B, s0  }
0xbf: {  	[sflag:s0] =	ssyncadd.remote.s32 $0x1  }
0xc0: {  	_ =	sfence.sel $0xFFFF  }
0xc1: {  	[dreg:$0x0] =	wrdreg $0xFFFFFFFF;
	(pc) =	sbr.abs _section_cstart, $3  }
0xc2: {  	[dreg:$0x1] =	wrdreg $0xFFFFFFFF  }
0xc3: {  	_ =	task.clear_ibuf [dreg:s7], $0x2FFFF;
	_ =	strace $0x9FFFFFFF  }
0xc4: {  	(tm) =	ssettm $0x7FFFFFFF  }
0xc5: {  	_ =	shalt  }
tec
execute0_lowered:
.L_overlay_start_1:
0x0: {  	(tag) =	ssettag $0x1  }
0x1: {  	s0 =	rddreg [dreg:$0x0]  }
0x2: {  	s1 =	rddreg [dreg:$0x1];
	s13 =	stileid.u32  }
0x3: {  	s3 =	srdreg.scid;
	s7 =	smul.u32 $0x14000, s13  }
0x4: {  	s2 =	rddreg [dreg:$0x2];
	s4 =	simm.s32 $0x0;
	s12 =	smul.u32 $0x500, s13  }
0x5: {  	s28 =	simm.s32 $0x3;
	s29 =	simm.s32 $0x7;
	s11 =	smul.u32 $0x50000, s13  }
0x6: {  	s30 =	simm.s32 $0x2;
	s6 =	sand.u32 $0x1, s3;
	s15 =	smul.u32 $0xA00, s13  }
0x7: {  	s3 =	rddreg [dreg:$0x3];
	s10 =	sshll.u32 s13, $0x1;
	s13 =	smul.u32 $0x5000, s13  }
0x8: {  	s31 =	simm.s32 $0x6;
	[smem:$0x7FF] =	sst s4;
	s5 =	smul.u32 $0x140000, s6  }
0x9: {  	_ =	strace $0x8000004A;
	s8 =	sshll.u32 s6, $0x7;
	s18 =	smul.u32 $0x2800, s6  }
0xa: {  	s14 =	sor.u32 s6, s10;
	s17 =	sshrl.u32 s11, $0x2;
	s10 =	sshrl.u32 s15, $0x2  }
0xb: {  	s5 =	sadd.s32 s7, s5;
	s20 =	sadd.s32 s18, s13;
	s18 =	simm.s32 $0x8  }
0xc: {  	s13 =	simm.s32 $0x10;
	s7 =	sshrl.u32 s5, $0x3;
	s5 =	sadd.s32 $0x1C00, s0  }
0xd: {  	s22 =	sor.u32 $0x100, s20;
	s24 =	sor.u32 $0x180, s20;
	s20 =	simm.s32 $0x2800  }
0xe: {  	s9 =	sadd.s32 s7, s0;
	s7 =	sor.u32 s8, s12;
	s12 =	ssub.s32 $0x2, s6  }
0xf: {  	s8 =	smul.u32 $0xA00, s14;
	s6 =	sadd.s32 s17, s2;
	s23 =	sshrl.u32 s22, $0x2  }
0x10: {  	s26 =	sshrl.u32 s24, $0x2;
	s17 =	simm.s32 $0x9;
	s22 =	simm.s32 $0x2880  }
0x11: {  	s24 =	simm.s32 $0x1;
	s7 =	sshrl.u32 s7, $0x3;
	s16 =	sshrl.u32 s12, $0x1  }
0x12: {  	s9 =	sadd.s32 $0x2A600, s9;
	s15 =	sadd.s32 s26, s1;
	s26 =	simm.s32 $0xB100  }
0x13: {  	s0 =	sadd.s32 s7, s0;
	s14 =	ssub.s32 s12, s16;
	s7 =	sadd.s32 s1, s8  }
0x14: {  	s8 =	sadd.s32 s10, s3;
	[dreg:$0x7] =	wrdreg s9;
	s19 =	sadd.s32 $0x10, s7  }
0x15: {  	s16 =	simm.s32 $0xA900;
	s21 =	sadd.s32 $0x30, s7;
	[dreg:$0x5] =	wrdreg s19  }
0x16: {  	s0 =	sadd.s32 $0x29C00, s0;
	s25 =	smax.u32 s14, $0x1;
	[dreg:$0x6] =	wrdreg s21  }
0x17: {  	s14 =	sadd.s32 s23, s1;
	s23 =	simm.s32 $0x6900;
	[dreg:$0x8] =	wrdreg s0  }
0x18: {  	s1 =	simm.s32 $0x4;
	[dreg:$0x9] =	wrdreg s25;
	s19 =	simm.s32 $0x80  }
0x19: {  	v0 =	vimm.f32 $1.000000000e+00;
	v1 =	vimm.f32 $0.0e+00;
	s21 =	simm.s32 $0x2900;
	s25 =	simm.s32 $0x5;
	s0 =	simm.s32 $0x0  }
.LBB2_1:
0x1a: {  	[tilespmem:$0xB100] =	vst v0  }
0x1b: {  	[tilespmem:$0xB110] =	vst v0  }
0x1c: {  	[tilespmem:$0xB120] =	vst v0  }
0x1d: {  	[tilespmem:$0xB130] =	vst v0  }
0x1e: {  	[tilespmem:$0xB140] =	vst v0  }
0x1f: {  	[tilespmem:$0xB150] =	vst v0  }
0x20: {  	[tilespmem:$0xB160] =	vst v0  }
0x21: {  	[tilespmem:$0xB170] =	vst v0  }
0x22: {  	[tilespmem:$0xB180] =	vst v1  }
0x23: {  	[tilespmem:$0xB190] =	vst v1  }
0x24: {  	[tilespmem:$0xB1A0] =	vst v1  }
0x25: {  	[tilespmem:$0xB1B0] =	vst v1  }
0x26: {  	[tilespmem:$0xB1C0] =	vst v1  }
0x27: {  	[tilespmem:$0xB1D0] =	vst v1  }
0x28: {  	[tilespmem:$0xB1E0] =	vst v1  }
0x29: {  	[tilespmem:$0xB1F0] =	vst v1  }
0x2a: {  	[tilespmem:$0xB200] =	vst v1  }
0x2b: {  	[tilespmem:$0xB210] =	vst v1  }
0x2c: {  	[tilespmem:$0xB220] =	vst v1  }
0x2d: {  	[tilespmem:$0xB230] =	vst v1  }
0x2e: {  	[tilespmem:$0xB240] =	vst v1  }
0x2f: {  	[tilespmem:$0xB250] =	vst v1  }
0x30: {  	[tilespmem:$0xB260] =	vst v1  }
0x31: {  	[tilespmem:$0xB270] =	vst v1  }
0x32: {  	[tilespmem:$0xB280] =	vst v1  }
0x33: {  	[tilespmem:$0xB290] =	vst v1  }
0x34: {  	[tilespmem:$0xB2A0] =	vst v1  }
0x35: {  	[tilespmem:$0xB2B0] =	vst v1  }
0x36: {  	[tilespmem:$0xB2C0] =	vst v1  }
0x37: {  	[tilespmem:$0xB2D0] =	vst v1  }
0x38: {  	[tilespmem:$0xB2E0] =	vst v1  }
0x39: {  	[tilespmem:$0xB2F0] =	vst v1  }
0x3a: {  	[tilespmem:$0xB300] =	vst v1  }
0x3b: {  	[tilespmem:$0xB310] =	vst v1  }
0x3c: {  	[tilespmem:$0xB320] =	vst v1  }
0x3d: {  	[tilespmem:$0xB330] =	vst v1  }
0x3e: {  	[tilespmem:$0xB340] =	vst v1  }
0x3f: {  	[tilespmem:$0xB350] =	vst v1  }
0x40: {  	[tilespmem:$0xB360] =	vst v1  }
0x41: {  	[tilespmem:$0xB370] =	vst v1  }
0x42: {  	[tilespmem:$0xB380] =	vst v1  }
0x43: {  	[tilespmem:$0xB390] =	vst v1  }
0x44: {  	[tilespmem:$0xB3A0] =	vst v1  }
0x45: {  	[tilespmem:$0xB3B0] =	vst v1  }
0x46: {  	[tilespmem:$0xB3C0] =	vst v1  }
0x47: {  	[tilespmem:$0xB3D0] =	vst v1  }
0x48: {  	[tilespmem:$0xB3E0] =	vst v1  }
0x49: {  	[tilespmem:$0xB3F0] =	vst v1;
	s9 =	simm.s32 $0x0;
	s10 =	simm.s32 $0x200  }
.LBB2_2:
0x4a: {  	p0 =	sne.s32 s10, $0x1E00;
	[tilespmem:s9+$0xA970] =	vst v1  }
0x4b: {  	[tilespmem:s9+$0xA900] =	vst v1  }
0x4c: {  	[tilespmem:s9+$0xA910] =	vst v1  }
.Ltmp0:
0x4d: {  	[tilespmem:s9+$0xA920] =	vst v1;
	(pc) =	sbr.rel @p0 .LBB2_2-.Ltmp0, $4  }
0x4e: {  	[tilespmem:s9+$0xA930] =	vst v1  }
0x4f: {  	[tilespmem:s9+$0xA940] =	vst v1  }
0x50: {  	[tilespmem:s9+$0xA950] =	vst v1  }
0x51: {  	[tilespmem:s9+$0xA960] =	vst v1;
	s9 =	sshra.s32 s10, $0x2;
	s10 =	sadd.s32 $0x200, s10  }
0x52: {  	[tilespmem:s9+$0xA970] =	vst v1  }
0x53: {  	[tilespmem:s9+$0xA900] =	vst v1  }
0x54: {  	[tilespmem:s9+$0xA910] =	vst v1  }
0x55: {  	[tilespmem:s9+$0xA920] =	vst v1  }
0x56: {  	[tilespmem:s9+$0xA930] =	vst v1  }
0x57: {  	[tilespmem:s9+$0xA940] =	vst v1  }
0x58: {  	[tilespmem:s9+$0xA950] =	vst v1  }
0x59: {  	[tilespmem:s9+$0xA960] =	vst v1;
	s12 =	sadd.s32 $0x0, s6  }
0x5a: {  	[spmem:s12] =	stream.linear.scatter [tilespmem:s16], [sflag:$0x9], $0x800, $0x38;
	[tilespmem:$0x1F680] =	vst v63  }
0x5b: {  	s9 =	simm.s32 $0x2000;
	_ =	swait.ge [sflag:s17], $0x800  }
.LBB2_4:
0x5c: {  	s10 =	sshra.s32 s9, $0x2;
	[sflag:s17] =	ssyncset.done $0x0;
	p0 =	sne.s32 s9, $0x4E000  }
.Ltmp1:
0x5d: {  	s10 =	sadd.s32 s10, s6;
	[sflag:s17] =	ssyncadd.s32 $0xFFFFF800;
	(pc) =	sbr.rel @p0 .LBB2_4-.Ltmp1, $3  }
0x5e: {  	[spmem:s10] =	stream.linear.scatter [tilespmem:s16], [sflag:$0x9], $0x800, $0x38;
	[tilespmem:$0x1F680] =	vst v63  }
0x5f: {  	s9 =	sadd.s32 $0x2000, s9;
	_ =	sdelay $0x1  }
0x60: {  	_ =	swait.ge [sflag:s17], $0x800  }
0x61: {  	[sflag:s17] =	ssyncset.done $0x0  }
0x62: {  	s9 =	simm.s32 $0xB180;
	[sflag:s17] =	ssyncadd.s32 $0xFFFFF800  }
0x63: {  	[spmem:s8] =	stream.linear.scatter [tilespmem:s9], [sflag:$0x9], $0x280, $0x38;
	[tilespmem:$0x1F680] =	vst v63  }
0x64: {  	_ =	swait.ge [sflag:s17], $0x280  }
0x65: {  	[sflag:s17] =	ssyncset.done $0x0  }
0x66: {  	[sflag:s17] =	ssyncadd.s32 $0xFFFFFD80  }
0x67: {  	s9 =	simm.s32 $0x100;
	[bflag:$0x0] =	sbarrier.arrive $0xFFFF  }
0x68: {  	[tilespmem:s4], [sflag:$0x9] =	stream.strided.gather [hbm4b:s7+s19], $0x2800, s9, s19, $0x38;
	[tilespmem:$0x1F680] =	vst v63  }
0x69: {  	_ =	swait.ge [sflag:s17], $0x2800  }
0x6a: {  	[sflag:s17] =	ssyncset.done $0x0  }
0x6b: {  	s10 =	rddreg [dreg:$0x5];
	[sflag:s17] =	ssyncadd.s32 $0xFFFFD800  }
0x6c: {  	[tilespmem:s20], [sflag:$0x5] =	stream.linear.gather [hbm4b:s10+s4], $0x80, $0x38;
	[tilespmem:$0x1F680] =	vst v63  }
0x6d: {  	_ = 	snop  }
0x6e: {  	[tilespmem:s21], [sflag:$0x1] =	stream.indirect.gather [hbm4b:s5+s19], $0x80, s4, s19, $0xb8;
	[tilespmem:$0x1F680] =	vst v63  }
0x6f: {  	s12 =	rddreg [dreg:$0x6]  }
0x70: {  	[tilespmem:s22], [sflag:$0x6] =	stream.linear.gather [hbm4b:s12+s4], $0x80, $0x38;
	[tilespmem:$0x1F680] =	vst v63  }
0x71: {  	_ = 	snop  }
0x72: {  	[tilespmem:s23], [sflag:$0x2] =	stream.indirect.gather [hbm4b:s5+s19], $0x80, s19, s19, $0xb8;
	[tilespmem:$0x1F680] =	vst v63  }
0x73: {  	_ =	swait.ge [sflag:s24], $0x4000  }
0x74: {  	[sflag:s24] =	ssyncset.done $0x0  }
0x75: {  	[sflag:s24] =	ssyncadd.s32 $0xFFFFC000  }
0x76: {  	_ =	swait.ge [sflag:s25], $0x80  }
0x77: {  	[sflag:s25] =	ssyncset.done $0x0  }
0x78: {  	[sflag:s25] =	ssyncadd.s32 $0xFFFFFF80  }
0x79: {  	[spmem:s2] =	stream.indirect.scatter.add.f32 [tilespmem:s21], [sflag:$0x3], $0x80, s20, s19, $0xb8;
	[tilespmem:$0x1F680] =	vst v63  }
0x7a: {  	_ = 	snop  }
0x7b: {  	[spmem:s3] =	stream.indirect.scatter.add.f32 [tilespmem:s26], [sflag:$0x7], $0x1, s20, s19, $0xb8;
	[tilespmem:$0x1F680] =	vst v63  }
0x7c: {  	_ =	swait.ge [sflag:s28], $0x4000  }
0x7d: {  	[sflag:s28] =	ssyncset.done $0x0  }
0x7e: {  	[sflag:s28] =	ssyncadd.s32 $0xFFFFC000  }
0x7f: {  	_ =	swait.ge [sflag:s29], $0x80  }
0x80: {  	[sflag:s29] =	ssyncset.done $0x0  }
0x81: {  	s11 =	sadd.s32 $0x10, s14;
	[sflag:s29] =	ssyncadd.s32 $0xFFFFFF80  }
0x82: {  	[tilespmem:s20], [sflag:$0x5] =	stream.linear.gather [hbm4b:s11+s4], $0x80, $0x38;
	[tilespmem:$0x1F680] =	vst v63  }
0x83: {  	_ = 	snop  }
0x84: {  	[tilespmem:s21], [sflag:$0x1] =	stream.indirect.gather [hbm4b:s5+s19], $0x80, s9, s19, $0xb8;
	[tilespmem:$0x1F680] =	vst v63  }
0x85: {  	_ =	swait.ge [sflag:s30], $0x4000  }
0x86: {  	[sflag:s30] =	ssyncset.done $0x0  }
0x87: {  	[sflag:s30] =	ssyncadd.s32 $0xFFFFC000  }
0x88: {  	_ =	swait.ge [sflag:s31], $0x80  }
0x89: {  	[sflag:s31] =	ssyncset.done $0x0  }
0x8a: {  	[sflag:s31] =	ssyncadd.s32 $0xFFFFFF80  }
0x8b: {  	[spmem:s2] =	stream.indirect.scatter.add.f32 [tilespmem:s23], [sflag:$0x4], $0x80, s22, s19, $0xb8;
	[tilespmem:$0x1F680] =	vst v63  }
0x8c: {  	_ = 	snop  }
0x8d: {  	[spmem:s3] =	stream.indirect.scatter.add.f32 [tilespmem:s26], [sflag:$0x8], $0x1, s22, s19, $0xb8;
	[tilespmem:$0x1F680] =	vst v63  }
0x8e: {  	_ =	swait.ge [sflag:s1], $0x4000  }
0x8f: {  	[sflag:s1] =	ssyncset.done $0x0  }
0x90: {  	[sflag:s1] =	ssyncadd.s32 $0xFFFFC000  }
0x91: {  	_ =	swait.ge [sflag:s18], $0x80  }
0x92: {  	s10 =	simm.s32 $0x200;
	s12 =	sadd.s32 $0x10, s15;
	[sflag:s18] =	ssyncset.done $0x0  }
0x93: {  	s11 =	simm.s32 $0x180;
	s9 =	simm.s32 $0x50;
	[sflag:s18] =	ssyncadd.s32 $0xFFFFFF80  }
0x94: {  	[tilespmem:s22], [sflag:$0x6] =	stream.linear.gather [hbm4b:s12+s4], $0x80, $0x38;
	[tilespmem:$0x1F680] =	vst v63  }
.LBB2_6:
0x95: {  	[tilespmem:s23], [sflag:$0x2] =	stream.indirect.gather [hbm4b:s5+s19], $0x80, s11, s19, $0xb8;
	[tilespmem:$0x1F680] =	vst v63  }
0x96: {  	s11 =	smov.u32 s9  }
0x97: {  	p0 =	sne.s32 s9, $0x990;
	s9 =	sadd.s32 $0x40, s9;
	_ =	swait.ge [sflag:s24], $0x4000  }
0x98: {  	[sflag:s24] =	ssyncset.done $0x0  }
0x99: {  	[sflag:s24] =	ssyncadd.s32 $0xFFFFC000  }
0x9a: {  	_ =	swait.ge [sflag:s25], $0x80  }
0x9b: {  	[sflag:s25] =	ssyncset.done $0x0  }
0x9c: {  	[sflag:s25] =	ssyncadd.s32 $0xFFFFFF80  }
0x9d: {  	[spmem:s2] =	stream.indirect.scatter.add.f32 [tilespmem:s21], [sflag:$0x3], $0x80, s20, s19, $0xb8;
	[tilespmem:$0x1F680] =	vst v63  }
0x9e: {  	_ = 	snop  }
0x9f: {  	[spmem:s3] =	stream.indirect.scatter.add.f32 [tilespmem:s26], [sflag:$0x7], $0x1, s20, s19, $0xb8;
	[tilespmem:$0x1F680] =	vst v63  }
0xa0: {  	_ =	swait.ge [sflag:s28], $0x4000  }
0xa1: {  	[sflag:s28] =	ssyncset.done $0x0  }
0xa2: {  	[sflag:s28] =	ssyncadd.s32 $0xFFFFC000  }
0xa3: {  	_ =	swait.ge [sflag:s29], $0x80  }
0xa4: {  	[sflag:s29] =	ssyncset.done $0x0  }
0xa5: {  	s12 =	sadd.s32 s11, s14;
	[sflag:s29] =	ssyncadd.s32 $0xFFFFFF80  }
0xa6: {  	[tilespmem:s20], [sflag:$0x5] =	stream.linear.gather [hbm4b:s12+s4], $0x80, $0x38;
	[tilespmem:$0x1F680] =	vst v63  }
0xa7: {  	_ = 	snop  }
0xa8: {  	[tilespmem:s21], [sflag:$0x1] =	stream.indirect.gather [hbm4b:s5+s19], $0x80, s10, s19, $0xb8;
	[tilespmem:$0x1F680] =	vst v63  }
0xa9: {  	_ =	swait.ge [sflag:s30], $0x4000  }
0xaa: {  	[sflag:s30] =	ssyncset.done $0x0  }
0xab: {  	[sflag:s30] =	ssyncadd.s32 $0xFFFFC000  }
0xac: {  	_ =	swait.ge [sflag:s31], $0x80  }
0xad: {  	[sflag:s31] =	ssyncset.done $0x0  }
0xae: {  	[sflag:s31] =	ssyncadd.s32 $0xFFFFFF80  }
0xaf: {  	[spmem:s2] =	stream.indirect.scatter.add.f32 [tilespmem:s23], [sflag:$0x4], $0x80, s22, s19, $0xb8;
	[tilespmem:$0x1F680] =	vst v63  }
0xb0: {  	_ = 	snop  }
0xb1: {  	[spmem:s3] =	stream.indirect.scatter.add.f32 [tilespmem:s26], [sflag:$0x8], $0x1, s22, s19, $0xb8;
	[tilespmem:$0x1F680] =	vst v63  }
0xb2: {  	_ =	swait.ge [sflag:s1], $0x4000  }
0xb3: {  	[sflag:s1] =	ssyncset.done $0x0  }
0xb4: {  	[sflag:s1] =	ssyncadd.s32 $0xFFFFC000  }
.Ltmp2:
0xb5: {  	_ =	swait.ge [sflag:s18], $0x80;
	(pc) =	sbr.rel @p0 .LBB2_6-.Ltmp2, $4  }
0xb6: {  	[sflag:s18] =	ssyncset.done $0x0  }
0xb7: {  	s11 =	sadd.s32 s11, s15;
	[sflag:s18] =	ssyncadd.s32 $0xFFFFFF80  }
0xb8: {  	[tilespmem:s22], [sflag:$0x6] =	stream.linear.gather [hbm4b:s11+s4], $0x80, $0x38;
	[tilespmem:$0x1F680] =	vst v63  }
0xb9: {  	s11 =	sadd.s32 $0x80, s10;
	s10 =	sadd.s32 $0x100, s10  }
0xba: {  	[tilespmem:s23], [sflag:$0x2] =	stream.indirect.gather [hbm4b:s5+s19], $0x80, s11, s19, $0xb8;
	[tilespmem:$0x1F680] =	vst v63  }
0xbb: {  	_ =	swait.ge [sflag:s24], $0x4000  }
0xbc: {  	[sflag:s24] =	ssyncset.done $0x0  }
0xbd: {  	[sflag:s24] =	ssyncadd.s32 $0xFFFFC000  }
0xbe: {  	_ =	swait.ge [sflag:s25], $0x80  }
0xbf: {  	[sflag:s25] =	ssyncset.done $0x0  }
0xc0: {  	[sflag:s25] =	ssyncadd.s32 $0xFFFFFF80  }
0xc1: {  	[spmem:s2] =	stream.indirect.scatter.add.f32 [tilespmem:s21], [sflag:$0x3], $0x80, s20, s19, $0xb8;
	[tilespmem:$0x1F680] =	vst v63  }
0xc2: {  	_ = 	snop  }
0xc3: {  	[spmem:s3] =	stream.indirect.scatter.add.f32 [tilespmem:s26], [sflag:$0x7], $0x1, s20, s19, $0xb8;
	[tilespmem:$0x1F680] =	vst v63  }
0xc4: {  	_ =	swait.ge [sflag:s30], $0x4000  }
0xc5: {  	[sflag:s30] =	ssyncset.done $0x0  }
0xc6: {  	[sflag:s30] =	ssyncadd.s32 $0xFFFFC000  }
0xc7: {  	_ =	swait.ge [sflag:s31], $0x80  }
0xc8: {  	[sflag:s31] =	ssyncset.done $0x0  }
0xc9: {  	[sflag:s31] =	ssyncadd.s32 $0xFFFFFF80  }
0xca: {  	[spmem:s2] =	stream.indirect.scatter.add.f32 [tilespmem:s23], [sflag:$0x4], $0x80, s22, s19, $0xb8;
	[tilespmem:$0x1F680] =	vst v63  }
0xcb: {  	_ = 	snop  }
0xcc: {  	[spmem:s3] =	stream.indirect.scatter.add.f32 [tilespmem:s26], [sflag:$0x8], $0x1, s22, s19, $0xb8;
	[tilespmem:$0x1F680] =	vst v63  }
0xcd: {  	_ =	swait.ge [sflag:s28], $0x4000  }
0xce: {  	[sflag:s28] =	ssyncset.done $0x0  }
0xcf: {  	[sflag:s28] =	ssyncadd.s32 $0xFFFFC000  }
0xd0: {  	_ =	swait.ge [sflag:s29], $0x80  }
0xd1: {  	[sflag:s29] =	ssyncset.done $0x0  }
0xd2: {  	[sflag:s29] =	ssyncadd.s32 $0xFFFFFF80  }
0xd3: {  	_ =	swait.ge [sflag:s1], $0x4000  }
0xd4: {  	[sflag:s1] =	ssyncset.done $0x0  }
0xd5: {  	[sflag:s1] =	ssyncadd.s32 $0xFFFFC000  }
0xd6: {  	_ =	swait.ge [sflag:s18], $0x80  }
0xd7: {  	[sflag:s18] =	ssyncset.done $0x0  }
0xd8: {  	s9 =	stileid.u32;
	[sflag:s18] =	ssyncadd.s32 $0xFFFFFF80  }
0xd9: {  	s9 =	sshll.u32 s9, $0x6;
	[bflag:$0x0] =	sbarrier.arrive $0xFFFF  }
0xda: {  	s10 =	sshrl.u32 s6, $0x3;
	s9 =	sor.u32 $0x1C09, s9;
	s12 =	rddreg [dreg:$0x7]  }
0xdb: {  	[hbm:s12], [sflag:s9] =	dma.local [spmem:s10], $0x2800  }
0xdc: {  	_ =	swait.ge [sflag:s17], $0x2800  }
0xdd: {  	s10 =	sshrl.u32 s8, $0x3;
	[sflag:s17] =	ssyncset.done $0x0  }
0xde: {  	s12 =	simm.s32 $0x20;
	s11 =	rddreg [dreg:$0x8];
	[sflag:s17] =	ssyncadd.s32 $0xFFFFD800  }
0xdf: {  	[hbm:s11@s12], [sflag:s9] =	dma.strided [spmem:s10@s13], $0x50, s24, $0x10   }
0xe0: {  	_ =	swait.ge [sflag:s17], $0x50  }
0xe1: {  	s0 =	sadd.s32 $0x1, s0;
	s12 =	rddreg [dreg:$0x9]  }
0xe2: {  	p0 =	sne.s32 s0, s12  }
.Ltmp3:
0xe3: {  	_ = 	snop;
	(pc) =	sbr.rel @p0 .LBB2_1-.Ltmp3, $3  }
0xe4: {  	_ =	sdelay $0x1  }
0xe5: {  	[sflag:s17] =	ssyncset.done $0x0  }
0xe6: {  	[sflag:s17] =	ssyncadd.s32 $0xFFFFFFB0  }
0xe7: {  	_ =	sfence.sel $0x180000  }
0xe8: {  	[bflag:$0x0] =	sbarrier.arrive $0xFFFF  }
0xe9: {  	_ =	strace $0x9000004A  }
0xea: {  	s0 =	stileid.u32;
	[bflag:$0x2] =	sbarrier.arrive $0xFFFF  }
0xeb: {  	p0 =	sne.s32 s0, $0x0;
	s0 =	rddreg [dreg:$0x4]  }
0xec: {  	s0 =	sadd.s32 @!p0 $0x100000, s0  }
0xed: {  	[sflag:s0] =	ssyncadd.tile.s32 @!p0 $0x1;
	_ =	shalt  }
.Lfunc_end2:
_tile_overlayer_lowered:
.L_overlay_start_2:
0xee: {  	(tag) =	ssettag $0x2  }
0xef: {  	s0 =	rddreg [dreg:$0x0];
	s2 =	stileid.u32  }
0xf0: {  	s1 =	rddreg [dreg:$0x1];
	p0 =	sne.s32 s2, $0x0  }
0xf1: {  	s3 =	rddreg [dreg:$0x2];
	[bflag:$0x3] =	sbarrier.arrive $0xFFFF;
	s2 =	simm.s32 @!p0 $0x1C09  }
0xf2: {  	[timem:s3], [sflag:s2] =	dma.local @!p0 [hbm:s0], s1  }
0xf3: {  	s0 =	simm.s32 @!p0 $0x9  }
0xf4: {  	_ =	swait.ge @!p0 [sflag:s0], s1  }
0xf5: {  	s1 =	ssub.s32 @!p0 $0x0, s1;
	[sflag:s0] =	ssyncset.done @!p0 $0x0  }
0xf6: {  	[sflag:s0] =	ssyncadd.s32 @!p0 s1  }
0xf7: {  	[bflag:$0x3] =	sbarrier.arrive $0xFFFF  }
0xf8: {  	_ =	shalt  }

</sc_bundles>
